<compile_context>
chip_gen: v7x
topology: tpu7x:2x2x1
jax: 0.10.2.dev20260603
libtpu: 0.0.44.dev20260713+nightly
codegen_flags: <defaults>
</compile_context>

<pallas_src>
import functools

import jax
import jax.numpy as jnp
from jax import lax
from jax.experimental import pallas as pl
from jax.experimental.pallas import tpu as pltpu
from jax.experimental.pallas import tpu_sc as plsc

CHUNK = 128
BLKP = 16384


def _relayout_body(t_ref, eye_ref, out_ref):
    x = t_ref[...]
    y = jnp.concatenate([x[:, :BLKP], x[:, BLKP:]], axis=0)
    out_ref[...] = lax.dot_general(
        y, eye_ref[...], (((0,), (0,)), ((), ())),
        preferred_element_type=jnp.float32)


def _relayout(tt):
    E, N = tt.shape
    W = 2 * BLKP
    grid = (N + W - 1) // W
    return pl.pallas_call(
        _relayout_body,
        grid=(grid,),
        in_specs=[
            pl.BlockSpec((E, W), lambda i: (0, i)),
            pl.BlockSpec((2 * E, 2 * E), lambda i: (0, 0)),
        ],
        out_specs=pl.BlockSpec((BLKP, 2 * E), lambda i: (i, 0)),
        out_shape=jax.ShapeDtypeStruct((grid * BLKP, 2 * E), jnp.float32),
        compiler_params=pltpu.CompilerParams(
            dimension_semantics=("parallel",)),
    )(tt, jnp.eye(2 * E, dtype=jnp.float32))


def _map_idx(idx):
    W = 2 * BLKP
    q = idx // W
    s = idx % W
    p = q * BLKP + jnp.where(s < BLKP, s, s - BLKP)
    half = (s >= BLKP).astype(jnp.int32)
    return p, half


@functools.partial(jax.jit, static_argnums=(4,))
def _sc_gather(ut2, uidx, mt2, midx, B):
    info = plsc.get_sparse_core_info()
    NW = info.num_cores * info.num_subcores
    b_per_w = B // NW
    n_ch = b_per_w // CHUNK
    mesh = plsc.VectorSubcoreMesh(core_axis_name="c", subcore_axis_name="s")

    @functools.partial(
        pl.kernel,
        mesh=mesh,
        out_type=(
            jax.ShapeDtypeStruct((B, 128), jnp.float32),
            jax.ShapeDtypeStruct((B, 128), jnp.float32),
        ),
        scratch_types=[
            pltpu.VMEM((n_ch, CHUNK), jnp.int32),
            pltpu.VMEM((n_ch, CHUNK), jnp.int32),
            pltpu.VMEM((2, CHUNK, 128), jnp.float32),
            pltpu.VMEM((2, CHUNK, 128), jnp.float32),
            pltpu.SemaphoreType.DMA,
            pltpu.SemaphoreType.DMA,
        ],
    )
    def k(ut_hbm, uix_hbm, mt_hbm, mix_hbm, gu_hbm, gm_hbm,
          uidx_v, midx_v, ubuf, mbuf, gsem, wsem):
        wid = lax.axis_index("s") * info.num_cores + lax.axis_index("c")
        base = wid * b_per_w
        pltpu.sync_copy(uix_hbm.at[wid], uidx_v)
        pltpu.sync_copy(mix_hbm.at[wid], midx_v)
        writes = [None, None]
        for j in range(n_ch):
            b = j % 2
            if writes[b] is not None:
                for w in writes[b]:
                    w.wait()
            gu = pltpu.async_copy(ut_hbm.at[uidx_v.at[j]], ubuf.at[b], gsem)
            gm = pltpu.async_copy(mt_hbm.at[midx_v.at[j]], mbuf.at[b], gsem)
            gu.wait()
            gm.wait()
            dst = pl.ds(base + j * CHUNK, CHUNK)
            writes[b] = (
                pltpu.async_copy(ubuf.at[b], gu_hbm.at[dst], wsem),
                pltpu.async_copy(mbuf.at[b], gm_hbm.at[dst], wsem),
            )
        for ws in writes:
            if ws is not None:
                for w in ws:
                    w.wait()

    uix3 = uidx.reshape(NW, n_ch, CHUNK)
    mix3 = midx.reshape(NW, n_ch, CHUNK)
    return k(ut2, uix3, mt2, mix3)


def _mlp_body(gu_ref, gm_ref, up_ref, mp_ref, w1u_ref, w1m_ref, b1_ref,
              w2_ref, b2_ref, out_ref):
    ue = jnp.where(up_ref[...] == 1, gu_ref[:, 64:], gu_ref[:, :64])
    me = jnp.where(mp_ref[...] == 1, gm_ref[:, 64:], gm_ref[:, :64])
    h = jnp.dot(ue, w1u_ref[...], preferred_element_type=jnp.float32)
    h = h + jnp.dot(me, w1m_ref[...], preferred_element_type=jnp.float32)
    h = jnp.maximum(h + b1_ref[...], 0.0)
    out_ref[...] = jnp.dot(h, w2_ref[...], preferred_element_type=jnp.float32) + b2_ref[...]


def _tc_mlp(gu, gm, up, mp, w1u, w1m, b1, w2, b2):
    B = gu.shape[0]
    H = w1u.shape[1]
    BLK = 4096
    return pl.pallas_call(
        _mlp_body,
        grid=(B // BLK,),
        in_specs=[
            pl.BlockSpec((BLK, 128), lambda i: (i, 0)),
            pl.BlockSpec((BLK, 128), lambda i: (i, 0)),
            pl.BlockSpec((BLK, 1), lambda i: (i, 0)),
            pl.BlockSpec((BLK, 1), lambda i: (i, 0)),
            pl.BlockSpec((64, H), lambda i: (0, 0)),
            pl.BlockSpec((64, H), lambda i: (0, 0)),
            pl.BlockSpec((1, H), lambda i: (0, 0)),
            pl.BlockSpec((H, 1), lambda i: (0, 0)),
            pl.BlockSpec((1, 1), lambda i: (0, 0)),
        ],
        out_specs=pl.BlockSpec((BLK, 1), lambda i: (i, 0)),
        out_shape=jax.ShapeDtypeStruct((B, 1), jnp.float32),
        compiler_params=pltpu.CompilerParams(
            dimension_semantics=("parallel",)),
    )(gu, gm, up, mp, w1u, w1m, b1, w2, b2)


def kernel(users, movies, user_table, movie_table, W1, b1, W2, b2):
    B = users.shape[0]
    D = user_table.shape[1]
    users = users.astype(jnp.int32)
    movies = movies.astype(jnp.int32)
    rm_u = _relayout(user_table.T)
    rm_m = _relayout(movie_table.T)
    pu, up = _map_idx(users)
    pm, mp = _map_idx(movies)
    gu, gm = _sc_gather(rm_u, pu, rm_m, pm, B)
    up = up.reshape(B, 1)
    mp = mp.reshape(B, 1)
    w1t = W1.T
    out = _tc_mlp(gu, gm, up, mp, w1t[:D], w1t[D:],
                  b1.reshape(1, -1), W2.T, b2.reshape(1, 1))
    return out

# --- scband reference (transcript-rebuilt; emitter-appended) ---
"""Pipeline reference for scband-recommendation-system-model-86380382257583 (READ-ONLY COPY).

The authoritative reference and input builder live on the scoring server;
editing this copy changes nothing except your own understanding.
"""

import jax, jax.numpy as jnp
import numpy as np

NUM_USERS = 1000000
NUM_ITEMS = 1000000
EMBED = 64
HIDDEN = 64
BATCH = 16384


def setup_inputs(seed: int = 0) -> dict:
    key = jax.random.key(seed)
    k1, k2, k3, k4, k5, k6, k7, k8 = jax.random.split(key, 8)
    users = jax.random.randint(k1, (BATCH,), 0, NUM_USERS, dtype=jnp.int64 if jax.config.jax_enable_x64 else jnp.int32)
    movies = jax.random.randint(k2, (BATCH,), 0, NUM_ITEMS, dtype=jnp.int64 if jax.config.jax_enable_x64 else jnp.int32)
    user_table = jax.random.normal(k3, (NUM_USERS, EMBED), dtype=jnp.float32)
    movie_table = jax.random.normal(k4, (NUM_ITEMS, EMBED), dtype=jnp.float32)
    lim1 = 1.0 / np.sqrt(2 * EMBED)
    W1 = jax.random.uniform(k5, (HIDDEN, 2 * EMBED), minval=-lim1, maxval=lim1, dtype=jnp.float32)
    b1 = jax.random.uniform(k6, (HIDDEN,), minval=-lim1, maxval=lim1, dtype=jnp.float32)
    lim2 = 1.0 / np.sqrt(HIDDEN)
    W2 = jax.random.uniform(k7, (1, HIDDEN), minval=-lim2, maxval=lim2, dtype=jnp.float32)
    b2 = jax.random.uniform(k8, (1,), minval=-lim2, maxval=lim2, dtype=jnp.float32)
    return {"users": users, "movies": movies, "user_table": user_table, "movie_table": movie_table, "W1": W1, "b1": b1, "W2": W2, "b2": b2}


def reference(users, movies, user_table, movie_table, W1, b1, W2, b2):
    user_embedded = jnp.take(user_table, users, axis=0)
    movie_embedded = jnp.take(movie_table, movies, axis=0)
    combined = jnp.concatenate([user_embedded, movie_embedded], axis=1)
    x = jax.nn.relu(combined @ W1.T + b1)
    # dropout is identity in eval/deterministic reference
    output = x @ W2.T + b2
    return output

if __name__ == "__main__":
    import jax
    _d = setup_inputs()
    print(jax.jit(kernel)(*tuple(_d.values())))

</pallas_src>

<mosaic_0001>
#map = affine_map<(d0, d1) -> (0, 0)>
#map1 = affine_map<(d0, d1) -> (0, 0, 0)>
module attributes {stable_mosaic.version = 14 : i64} {
  func.func @k(%arg0: i32, %arg1: i32, %arg2: memref<507904x128xf32, #tpu.memory_space<hbm>>, %arg3: memref<32x4x128xi32, #tpu.memory_space<hbm>>, %arg4: memref<507904x128xf32, #tpu.memory_space<hbm>>, %arg5: memref<32x4x128xi32, #tpu.memory_space<hbm>>, %arg6: memref<16384x128xf32, #tpu.memory_space<hbm>>, %arg7: memref<16384x128xf32, #tpu.memory_space<hbm>>, %arg8: memref<4x128xi32, #tpu.memory_space<vmem>>, %arg9: memref<4x128xi32, #tpu.memory_space<vmem>>, %arg10: memref<2x128x128xf32, #tpu.memory_space<vmem>>, %arg11: memref<2x128x128xf32, #tpu.memory_space<vmem>>, %arg12: memref<!tpu.dma_semaphore, #tpu.memory_space<semaphore_mem>>, %arg13: memref<!tpu.dma_semaphore, #tpu.memory_space<semaphore_mem>>) attributes {dimension_semantics = [#tpu.dimension_semantics<core_parallel>, #tpu.dimension_semantics<subcore_parallel>], iteration_bounds = array<i64: 2, 16>, scalar_prefetch = 0 : i64, scratch_operands = 6 : i64, tpu.core_type = #tpu.core_type<sc_vector_subcore>, window_params = [{transform_indices = #map}, {transform_indices = #map1}, {transform_indices = #map}, {transform_indices = #map1}, {transform_indices = #map}, {transform_indices = #map}]} {
    %mul3A = arith.constant 2 : i32
    %mul3A_0 = arith.muli %arg1, %mul3A : i32
    %add3A = arith.addi %mul3A_0, %arg0 : i32
    %mul3A_1 = arith.constant 512 : i32
    %mul3A_2 = arith.muli %add3A, %mul3A_1 : i32
    "tpu.region"() ({
      %run_scoped3A = tpu.sem_alloc : memref<!tpu.dma_semaphore, #tpu.memory_space<semaphore_mem>>
      %dma_start3A_409 = arith.constant 0 : i32
      %dma_start3A_410 = arith.constant 0 : i32
      %dma_start3A_411 = tpu.memref_slice %arg3[%add3A, %dma_start3A_409, %dma_start3A_410] : memref<32x4x128xi32, #tpu.memory_space<hbm>> -> memref<1x4x128xi32, #tpu.memory_space<hbm>>
      %dma_start3A_412 = tpu.memref_squeeze %dma_start3A_411 : memref<1x4x128xi32, #tpu.memory_space<hbm>> -> memref<4x128xi32, #tpu.memory_space<hbm>>
      %dma_start3A_413 = arith.constant 0 : i32
      %dma_start3A_414 = arith.constant 0 : i32
      %dma_start3A_415 = tpu.memref_slice %arg3[%add3A, %dma_start3A_413, %dma_start3A_414] : memref<32x4x128xi32, #tpu.memory_space<hbm>> -> memref<1x4x128xi32, #tpu.memory_space<hbm>>
      %dma_start3A_416 = tpu.memref_squeeze %dma_start3A_415 : memref<1x4x128xi32, #tpu.memory_space<hbm>> -> memref<4x128xi32, #tpu.memory_space<hbm>>
      tpu.enqueue_dma source(%dma_start3A_416 : memref<4x128xi32, #tpu.memory_space<hbm>>) target(%arg8 : memref<4x128xi32, #tpu.memory_space<vmem>>) target_semaphore(%run_scoped3A : memref<!tpu.dma_semaphore, #tpu.memory_space<semaphore_mem>>)
      %dma_wait3A_417 = arith.constant 0 : i32
      %dma_wait3A_418 = arith.constant 0 : i32
      %dma_wait3A_419 = tpu.memref_slice %arg3[%add3A, %dma_wait3A_417, %dma_wait3A_418] : memref<32x4x128xi32, #tpu.memory_space<hbm>> -> memref<1x4x128xi32, #tpu.memory_space<hbm>>
      %dma_wait3A_420 = tpu.memref_squeeze %dma_wait3A_419 : memref<1x4x128xi32, #tpu.memory_space<hbm>> -> memref<4x128xi32, #tpu.memory_space<hbm>>
      %dma_wait3A_421 = arith.constant 0 : i32
      %dma_wait3A_422 = arith.constant 0 : i32
      %dma_wait3A_423 = tpu.memref_slice %arg3[%add3A, %dma_wait3A_421, %dma_wait3A_422] : memref<32x4x128xi32, #tpu.memory_space<hbm>> -> memref<1x4x128xi32, #tpu.memory_space<hbm>>
      %dma_wait3A_424 = tpu.memref_squeeze %dma_wait3A_423 : memref<1x4x128xi32, #tpu.memory_space<hbm>> -> memref<4x128xi32, #tpu.memory_space<hbm>>
      tpu.wait_dma2 semaphore(%run_scoped3A : memref<!tpu.dma_semaphore, #tpu.memory_space<semaphore_mem>>) src(%dma_wait3A_424 : memref<4x128xi32, #tpu.memory_space<hbm>>) dst(%arg8 : memref<4x128xi32, #tpu.memory_space<vmem>>)
      tpu.yield
    }) : () -> ()
    "tpu.region"() ({
      %run_scoped3A = tpu.sem_alloc : memref<!tpu.dma_semaphore, #tpu.memory_space<semaphore_mem>>
      %dma_start3A_409 = arith.constant 0 : i32
      %dma_start3A_410 = arith.constant 0 : i32
      %dma_start3A_411 = tpu.memref_slice %arg5[%add3A, %dma_start3A_409, %dma_start3A_410] : memref<32x4x128xi32, #tpu.memory_space<hbm>> -> memref<1x4x128xi32, #tpu.memory_space<hbm>>
      %dma_start3A_412 = tpu.memref_squeeze %dma_start3A_411 : memref<1x4x128xi32, #tpu.memory_space<hbm>> -> memref<4x128xi32, #tpu.memory_space<hbm>>
      %dma_start3A_413 = arith.constant 0 : i32
      %dma_start3A_414 = arith.constant 0 : i32
      %dma_start3A_415 = tpu.memref_slice %arg5[%add3A, %dma_start3A_413, %dma_start3A_414] : memref<32x4x128xi32, #tpu.memory_space<hbm>> -> memref<1x4x128xi32, #tpu.memory_space<hbm>>
      %dma_start3A_416 = tpu.memref_squeeze %dma_start3A_415 : memref<1x4x128xi32, #tpu.memory_space<hbm>> -> memref<4x128xi32, #tpu.memory_space<hbm>>
      tpu.enqueue_dma source(%dma_start3A_416 : memref<4x128xi32, #tpu.memory_space<hbm>>) target(%arg9 : memref<4x128xi32, #tpu.memory_space<vmem>>) target_semaphore(%run_scoped3A : memref<!tpu.dma_semaphore, #tpu.memory_space<semaphore_mem>>)
      %dma_wait3A_417 = arith.constant 0 : i32
      %dma_wait3A_418 = arith.constant 0 : i32
      %dma_wait3A_419 = tpu.memref_slice %arg5[%add3A, %dma_wait3A_417, %dma_wait3A_418] : memref<32x4x128xi32, #tpu.memory_space<hbm>> -> memref<1x4x128xi32, #tpu.memory_space<hbm>>
      %dma_wait3A_420 = tpu.memref_squeeze %dma_wait3A_419 : memref<1x4x128xi32, #tpu.memory_space<hbm>> -> memref<4x128xi32, #tpu.memory_space<hbm>>
      %dma_wait3A_421 = arith.constant 0 : i32
      %dma_wait3A_422 = arith.constant 0 : i32
      %dma_wait3A_423 = tpu.memref_slice %arg5[%add3A, %dma_wait3A_421, %dma_wait3A_422] : memref<32x4x128xi32, #tpu.memory_space<hbm>> -> memref<1x4x128xi32, #tpu.memory_space<hbm>>
      %dma_wait3A_424 = tpu.memref_squeeze %dma_wait3A_423 : memref<1x4x128xi32, #tpu.memory_space<hbm>> -> memref<4x128xi32, #tpu.memory_space<hbm>>
      tpu.wait_dma2 semaphore(%run_scoped3A : memref<!tpu.dma_semaphore, #tpu.memory_space<semaphore_mem>>) src(%dma_wait3A_424 : memref<4x128xi32, #tpu.memory_space<hbm>>) dst(%arg9 : memref<4x128xi32, #tpu.memory_space<vmem>>)
      tpu.yield
    }) : () -> ()
    %dma_start3A = arith.constant 0 : i32
    %dma_start3A_3 = arith.constant 0 : i32
    %dma_start3A_4 = arith.constant 0 : i32
    %dma_start3A_5 = arith.constant 0 : i32
    %dma_start3A_6 = tpu.memref_slice %arg10[%dma_start3A_3, %dma_start3A_4, %dma_start3A_5] : memref<2x128x128xf32, #tpu.memory_space<vmem>> -> memref<1x128x128xf32, #tpu.memory_space<vmem>>
    %dma_start3A_7 = tpu.memref_squeeze %dma_start3A_6 : memref<1x128x128xf32, #tpu.memory_space<vmem>> -> memref<128x128xf32, #tpu.memory_space<vmem>>
    %dma_start3A_8 = arith.constant 0 : i32
    %dma_start3A_9 = tpu.memref_slice %arg8[%dma_start3A, %dma_start3A_8] : memref<4x128xi32, #tpu.memory_space<vmem>> -> memref<1x128xi32, #tpu.memory_space<vmem>>
    %dma_start3A_10 = tpu.memref_squeeze %dma_start3A_9 : memref<1x128xi32, #tpu.memory_space<vmem>> -> memref<128xi32, #tpu.memory_space<vmem>>
    %dma_start3A_11 = arith.constant 0 : i32
    %dma_start3A_12 = arith.constant 0 : i32
    %dma_start3A_13 = tpu.memref_slice %arg2[%dma_start3A_11, %dma_start3A_12] : memref<507904x128xf32, #tpu.memory_space<hbm>> -> memref<507904x128xf32, #tpu.memory_space<hbm>>
    tpu.enqueue_indirect_dma source(%dma_start3A_13 : memref<507904x128xf32, #tpu.memory_space<hbm>>) target(%dma_start3A_7 : memref<128x128xf32, #tpu.memory_space<vmem>>) offsets(%dma_start3A_10 : memref<128xi32, #tpu.memory_space<vmem>>) semaphore(%arg12 : memref<!tpu.dma_semaphore, #tpu.memory_space<semaphore_mem>>)
    %dma_start3A_14 = arith.constant 0 : i32
    %dma_start3A_15 = arith.constant 0 : i32
    %dma_start3A_16 = arith.constant 0 : i32
    %dma_start3A_17 = arith.constant 0 : i32
    %dma_start3A_18 = tpu.memref_slice %arg11[%dma_start3A_15, %dma_start3A_16, %dma_start3A_17] : memref<2x128x128xf32, #tpu.memory_space<vmem>> -> memref<1x128x128xf32, #tpu.memory_space<vmem>>
    %dma_start3A_19 = tpu.memref_squeeze %dma_start3A_18 : memref<1x128x128xf32, #tpu.memory_space<vmem>> -> memref<128x128xf32, #tpu.memory_space<vmem>>
    %dma_start3A_20 = arith.constant 0 : i32
    %dma_start3A_21 = tpu.memref_slice %arg9[%dma_start3A_14, %dma_start3A_20] : memref<4x128xi32, #tpu.memory_space<vmem>> -> memref<1x128xi32, #tpu.memory_space<vmem>>
    %dma_start3A_22 = tpu.memref_squeeze %dma_start3A_21 : memref<1x128xi32, #tpu.memory_space<vmem>> -> memref<128xi32, #tpu.memory_space<vmem>>
    %dma_start3A_23 = arith.constant 0 : i32
    %dma_start3A_24 = arith.constant 0 : i32
    %dma_start3A_25 = tpu.memref_slice %arg4[%dma_start3A_23, %dma_start3A_24] : memref<507904x128xf32, #tpu.memory_space<hbm>> -> memref<507904x128xf32, #tpu.memory_space<hbm>>
    tpu.enqueue_indirect_dma source(%dma_start3A_25 : memref<507904x128xf32, #tpu.memory_space<hbm>>) target(%dma_start3A_19 : memref<128x128xf32, #tpu.memory_space<vmem>>) offsets(%dma_start3A_22 : memref<128xi32, #tpu.memory_space<vmem>>) semaphore(%arg12 : memref<!tpu.dma_semaphore, #tpu.memory_space<semaphore_mem>>)
    %dma_wait3A = arith.constant 0 : i32
    %dma_wait3A_26 = arith.constant 0 : i32
    %dma_wait3A_27 = arith.constant 0 : i32
    %dma_wait3A_28 = arith.constant 0 : i32
    %dma_wait3A_29 = tpu.memref_slice %arg10[%dma_wait3A_26, %dma_wait3A_27, %dma_wait3A_28] : memref<2x128x128xf32, #tpu.memory_space<vmem>> -> memref<1x128x128xf32, #tpu.memory_space<vmem>>
    %dma_wait3A_30 = tpu.memref_squeeze %dma_wait3A_29 : memref<1x128x128xf32, #tpu.memory_space<vmem>> -> memref<128x128xf32, #tpu.memory_space<vmem>>
    %dma_wait3A_31 = arith.constant 0 : i32
    %dma_wait3A_32 = tpu.memref_slice %arg8[%dma_wait3A, %dma_wait3A_31] : memref<4x128xi32, #tpu.memory_space<vmem>> -> memref<1x128xi32, #tpu.memory_space<vmem>>
    %dma_wait3A_33 = tpu.memref_squeeze %dma_wait3A_32 : memref<1x128xi32, #tpu.memory_space<vmem>> -> memref<128xi32, #tpu.memory_space<vmem>>
    %dma_wait3A_34 = arith.constant 0 : i32
    %dma_wait3A_35 = arith.constant 0 : i32
    %dma_wait3A_36 = tpu.memref_slice %arg2[%dma_wait3A_34, %dma_wait3A_35] : memref<507904x128xf32, #tpu.memory_space<hbm>> -> memref<507904x128xf32, #tpu.memory_space<hbm>>
    tpu.wait_indirect_dma semaphore(%arg12 : memref<!tpu.dma_semaphore, #tpu.memory_space<semaphore_mem>>) src(%dma_wait3A_36 : memref<507904x128xf32, #tpu.memory_space<hbm>>) dst(%dma_wait3A_30 : memref<128x128xf32, #tpu.memory_space<vmem>>)
    %dma_wait3A_37 = arith.constant 0 : i32
    %dma_wait3A_38 = arith.constant 0 : i32
    %dma_wait3A_39 = arith.constant 0 : i32
    %dma_wait3A_40 = arith.constant 0 : i32
    %dma_wait3A_41 = tpu.memref_slice %arg11[%dma_wait3A_38, %dma_wait3A_39, %dma_wait3A_40] : memref<2x128x128xf32, #tpu.memory_space<vmem>> -> memref<1x128x128xf32, #tpu.memory_space<vmem>>
    %dma_wait3A_42 = tpu.memref_squeeze %dma_wait3A_41 : memref<1x128x128xf32, #tpu.memory_space<vmem>> -> memref<128x128xf32, #tpu.memory_space<vmem>>
    %dma_wait3A_43 = arith.constant 0 : i32
    %dma_wait3A_44 = tpu.memref_slice %arg9[%dma_wait3A_37, %dma_wait3A_43] : memref<4x128xi32, #tpu.memory_space<vmem>> -> memref<1x128xi32, #tpu.memory_space<vmem>>
    %dma_wait3A_45 = tpu.memref_squeeze %dma_wait3A_44 : memref<1x128xi32, #tpu.memory_space<vmem>> -> memref<128xi32, #tpu.memory_space<vmem>>
    %dma_wait3A_46 = arith.constant 0 : i32
    %dma_wait3A_47 = arith.constant 0 : i32
    %dma_wait3A_48 = tpu.memref_slice %arg4[%dma_wait3A_46, %dma_wait3A_47] : memref<507904x128xf32, #tpu.memory_space<hbm>> -> memref<507904x128xf32, #tpu.memory_space<hbm>>
    tpu.wait_indirect_dma semaphore(%arg12 : memref<!tpu.dma_semaphore, #tpu.memory_space<semaphore_mem>>) src(%dma_wait3A_48 : memref<507904x128xf32, #tpu.memory_space<hbm>>) dst(%dma_wait3A_42 : memref<128x128xf32, #tpu.memory_space<vmem>>)
    %add3A_49 = arith.constant 0 : i32
    %add3A_50 = arith.addi %mul3A_2, %add3A_49 : i32
    %dma_start3A_51 = arith.constant 0 : i32
    %dma_start3A_52 = arith.constant 0 : i32
    %dma_start3A_53 = arith.constant 0 : i32
    %dma_start3A_54 = tpu.memref_slice %arg10[%dma_start3A_51, %dma_start3A_52, %dma_start3A_53] : memref<2x128x128xf32, #tpu.memory_space<vmem>> -> memref<1x128x128xf32, #tpu.memory_space<vmem>>
    %dma_start3A_55 = tpu.memref_squeeze %dma_start3A_54 : memref<1x128x128xf32, #tpu.memory_space<vmem>> -> memref<128x128xf32, #tpu.memory_space<vmem>>
    %dma_start3A_56 = arith.constant 0 : i32
    %dma_start3A_57 = tpu.memref_slice %arg6[%add3A_50, %dma_start3A_56] : memref<16384x128xf32, #tpu.memory_space<hbm>> -> memref<128x128xf32, #tpu.memory_space<hbm>>
    %dma_start3A_58 = arith.constant 0 : i32
    %dma_start3A_59 = tpu.memref_slice %arg6[%add3A_50, %dma_start3A_58] : memref<16384x128xf32, #tpu.memory_space<hbm>> -> memref<128x128xf32, #tpu.memory_space<hbm>>
    %dma_start3A_60 = arith.constant 0 : i32
    %dma_start3A_61 = arith.constant 0 : i32
    %dma_start3A_62 = tpu.memref_slice %arg10[%dma_start3A_51, %dma_start3A_60, %dma_start3A_61] : memref<2x128x128xf32, #tpu.memory_space<vmem>> -> memref<1x128x128xf32, #tpu.memory_space<vmem>>
    %dma_start3A_63 = tpu.memref_squeeze %dma_start3A_62 : memref<1x128x128xf32, #tpu.memory_space<vmem>> -> memref<128x128xf32, #tpu.memory_space<vmem>>
    tpu.enqueue_dma source(%dma_start3A_63 : memref<128x128xf32, #tpu.memory_space<vmem>>) target(%dma_start3A_59 : memref<128x128xf32, #tpu.memory_space<hbm>>) target_semaphore(%arg13 : memref<!tpu.dma_semaphore, #tpu.memory_space<semaphore_mem>>)
    %dma_start3A_64 = arith.constant 0 : i32
    %dma_start3A_65 = arith.constant 0 : i32
    %dma_start3A_66 = arith.constant 0 : i32
    %dma_start3A_67 = tpu.memref_slice %arg11[%dma_start3A_64, %dma_start3A_65, %dma_start3A_66] : memref<2x128x128xf32, #tpu.memory_space<vmem>> -> memref<1x128x128xf32, #tpu.memory_space<vmem>>
    %dma_start3A_68 = tpu.memref_squeeze %dma_start3A_67 : memref<1x128x128xf32, #tpu.memory_space<vmem>> -> memref<128x128xf32, #tpu.memory_space<vmem>>
    %dma_start3A_69 = arith.constant 0 : i32
    %dma_start3A_70 = tpu.memref_slice %arg7[%add3A_50, %dma_start3A_69] : memref<16384x128xf32, #tpu.memory_space<hbm>> -> memref<128x128xf32, #tpu.memory_space<hbm>>
    %dma_start3A_71 = arith.constant 0 : i32
    %dma_start3A_72 = tpu.memref_slice %arg7[%add3A_50, %dma_start3A_71] : memref<16384x128xf32, #tpu.memory_space<hbm>> -> memref<128x128xf32, #tpu.memory_space<hbm>>
    %dma_start3A_73 = arith.constant 0 : i32
    %dma_start3A_74 = arith.constant 0 : i32
    %dma_start3A_75 = tpu.memref_slice %arg11[%dma_start3A_64, %dma_start3A_73, %dma_start3A_74] : memref<2x128x128xf32, #tpu.memory_space<vmem>> -> memref<1x128x128xf32, #tpu.memory_space<vmem>>
    %dma_start3A_76 = tpu.memref_squeeze %dma_start3A_75 : memref<1x128x128xf32, #tpu.memory_space<vmem>> -> memref<128x128xf32, #tpu.memory_space<vmem>>
    tpu.enqueue_dma source(%dma_start3A_76 : memref<128x128xf32, #tpu.memory_space<vmem>>) target(%dma_start3A_72 : memref<128x128xf32, #tpu.memory_space<hbm>>) target_semaphore(%arg13 : memref<!tpu.dma_semaphore, #tpu.memory_space<semaphore_mem>>)
    %dma_start3A_77 = arith.constant 1 : i32
    %dma_start3A_78 = arith.constant 1 : i32
    %dma_start3A_79 = arith.constant 0 : i32
    %dma_start3A_80 = arith.constant 0 : i32
    %dma_start3A_81 = tpu.memref_slice %arg10[%dma_start3A_78, %dma_start3A_79, %dma_start3A_80] : memref<2x128x128xf32, #tpu.memory_space<vmem>> -> memref<1x128x128xf32, #tpu.memory_space<vmem>>
    %dma_start3A_82 = tpu.memref_squeeze %dma_start3A_81 : memref<1x128x128xf32, #tpu.memory_space<vmem>> -> memref<128x128xf32, #tpu.memory_space<vmem>>
    %dma_start3A_83 = arith.constant 0 : i32
    %dma_start3A_84 = tpu.memref_slice %arg8[%dma_start3A_77, %dma_start3A_83] : memref<4x128xi32, #tpu.memory_space<vmem>> -> memref<1x128xi32, #tpu.memory_space<vmem>>
    %dma_start3A_85 = tpu.memref_squeeze %dma_start3A_84 : memref<1x128xi32, #tpu.memory_space<vmem>> -> memref<128xi32, #tpu.memory_space<vmem>>
    %dma_start3A_86 = arith.constant 0 : i32
    %dma_start3A_87 = arith.constant 0 : i32
    %dma_start3A_88 = tpu.memref_slice %arg2[%dma_start3A_86, %dma_start3A_87] : memref<507904x128xf32, #tpu.memory_space<hbm>> -> memref<507904x128xf32, #tpu.memory_space<hbm>>
    tpu.enqueue_indirect_dma source(%dma_start3A_88 : memref<507904x128xf32, #tpu.memory_space<hbm>>) target(%dma_start3A_82 : memref<128x128xf32, #tpu.memory_space<vmem>>) offsets(%dma_start3A_85 : memref<128xi32, #tpu.memory_space<vmem>>) semaphore(%arg12 : memref<!tpu.dma_semaphore, #tpu.memory_space<semaphore_mem>>)
    %dma_start3A_89 = arith.constant 1 : i32
    %dma_start3A_90 = arith.constant 1 : i32
    %dma_start3A_91 = arith.constant 0 : i32
    %dma_start3A_92 = arith.constant 0 : i32
    %dma_start3A_93 = tpu.memref_slice %arg11[%dma_start3A_90, %dma_start3A_91, %dma_start3A_92] : memref<2x128x128xf32, #tpu.memory_space<vmem>> -> memref<1x128x128xf32, #tpu.memory_space<vmem>>
    %dma_start3A_94 = tpu.memref_squeeze %dma_start3A_93 : memref<1x128x128xf32, #tpu.memory_space<vmem>> -> memref<128x128xf32, #tpu.memory_space<vmem>>
    %dma_start3A_95 = arith.constant 0 : i32
    %dma_start3A_96 = tpu.memref_slice %arg9[%dma_start3A_89, %dma_start3A_95] : memref<4x128xi32, #tpu.memory_space<vmem>> -> memref<1x128xi32, #tpu.memory_space<vmem>>
    %dma_start3A_97 = tpu.memref_squeeze %dma_start3A_96 : memref<1x128xi32, #tpu.memory_space<vmem>> -> memref<128xi32, #tpu.memory_space<vmem>>
    %dma_start3A_98 = arith.constant 0 : i32
    %dma_start3A_99 = arith.constant 0 : i32
    %dma_start3A_100 = tpu.memref_slice %arg4[%dma_start3A_98, %dma_start3A_99] : memref<507904x128xf32, #tpu.memory_space<hbm>> -> memref<507904x128xf32, #tpu.memory_space<hbm>>
    tpu.enqueue_indirect_dma source(%dma_start3A_100 : memref<507904x128xf32, #tpu.memory_space<hbm>>) target(%dma_start3A_94 : memref<128x128xf32, #tpu.memory_space<vmem>>) offsets(%dma_start3A_97 : memref<128xi32, #tpu.memory_space<vmem>>) semaphore(%arg12 : memref<!tpu.dma_semaphore, #tpu.memory_space<semaphore_mem>>)
    %dma_wait3A_101 = arith.constant 1 : i32
    %dma_wait3A_102 = arith.constant 1 : i32
    %dma_wait3A_103 = arith.constant 0 : i32
    %dma_wait3A_104 = arith.constant 0 : i32
    %dma_wait3A_105 = tpu.memref_slice %arg10[%dma_wait3A_102, %dma_wait3A_103, %dma_wait3A_104] : memref<2x128x128xf32, #tpu.memory_space<vmem>> -> memref<1x128x128xf32, #tpu.memory_space<vmem>>
    %dma_wait3A_106 = tpu.memref_squeeze %dma_wait3A_105 : memref<1x128x128xf32, #tpu.memory_space<vmem>> -> memref<128x128xf32, #tpu.memory_space<vmem>>
    %dma_wait3A_107 = arith.constant 0 : i32
    %dma_wait3A_108 = tpu.memref_slice %arg8[%dma_wait3A_101, %dma_wait3A_107] : memref<4x128xi32, #tpu.memory_space<vmem>> -> memref<1x128xi32, #tpu.memory_space<vmem>>
    %dma_wait3A_109 = tpu.memref_squeeze %dma_wait3A_108 : memref<1x128xi32, #tpu.memory_space<vmem>> -> memref<128xi32, #tpu.memory_space<vmem>>
    %dma_wait3A_110 = arith.constant 0 : i32
    %dma_wait3A_111 = arith.constant 0 : i32
    %dma_wait3A_112 = tpu.memref_slice %arg2[%dma_wait3A_110, %dma_wait3A_111] : memref<507904x128xf32, #tpu.memory_space<hbm>> -> memref<507904x128xf32, #tpu.memory_space<hbm>>
    tpu.wait_indirect_dma semaphore(%arg12 : memref<!tpu.dma_semaphore, #tpu.memory_space<semaphore_mem>>) src(%dma_wait3A_112 : memref<507904x128xf32, #tpu.memory_space<hbm>>) dst(%dma_wait3A_106 : memref<128x128xf32, #tpu.memory_space<vmem>>)
    %dma_wait3A_113 = arith.constant 1 : i32
    %dma_wait3A_114 = arith.constant 1 : i32
    %dma_wait3A_115 = arith.constant 0 : i32
    %dma_wait3A_116 = arith.constant 0 : i32
    %dma_wait3A_117 = tpu.memref_slice %arg11[%dma_wait3A_114, %dma_wait3A_115, %dma_wait3A_116] : memref<2x128x128xf32, #tpu.memory_space<vmem>> -> memref<1x128x128xf32, #tpu.memory_space<vmem>>
    %dma_wait3A_118 = tpu.memref_squeeze %dma_wait3A_117 : memref<1x128x128xf32, #tpu.memory_space<vmem>> -> memref<128x128xf32, #tpu.memory_space<vmem>>
    %dma_wait3A_119 = arith.constant 0 : i32
    %dma_wait3A_120 = tpu.memref_slice %arg9[%dma_wait3A_113, %dma_wait3A_119] : memref<4x128xi32, #tpu.memory_space<vmem>> -> memref<1x128xi32, #tpu.memory_space<vmem>>
    %dma_wait3A_121 = tpu.memref_squeeze %dma_wait3A_120 : memref<1x128xi32, #tpu.memory_space<vmem>> -> memref<128xi32, #tpu.memory_space<vmem>>
    %dma_wait3A_122 = arith.constant 0 : i32
    %dma_wait3A_123 = arith.constant 0 : i32
    %dma_wait3A_124 = tpu.memref_slice %arg4[%dma_wait3A_122, %dma_wait3A_123] : memref<507904x128xf32, #tpu.memory_space<hbm>> -> memref<507904x128xf32, #tpu.memory_space<hbm>>
    tpu.wait_indirect_dma semaphore(%arg12 : memref<!tpu.dma_semaphore, #tpu.memory_space<semaphore_mem>>) src(%dma_wait3A_124 : memref<507904x128xf32, #tpu.memory_space<hbm>>) dst(%dma_wait3A_118 : memref<128x128xf32, #tpu.memory_space<vmem>>)
    %add3A_125 = arith.constant 128 : i32
    %add3A_126 = arith.addi %mul3A_2, %add3A_125 : i32
    %dma_start3A_127 = arith.constant 1 : i32
    %dma_start3A_128 = arith.constant 0 : i32
    %dma_start3A_129 = arith.constant 0 : i32
    %dma_start3A_130 = tpu.memref_slice %arg10[%dma_start3A_127, %dma_start3A_128, %dma_start3A_129] : memref<2x128x128xf32, #tpu.memory_space<vmem>> -> memref<1x128x128xf32, #tpu.memory_space<vmem>>
    %dma_start3A_131 = tpu.memref_squeeze %dma_start3A_130 : memref<1x128x128xf32, #tpu.memory_space<vmem>> -> memref<128x128xf32, #tpu.memory_space<vmem>>
    %dma_start3A_132 = arith.constant 0 : i32
    %dma_start3A_133 = tpu.memref_slice %arg6[%add3A_126, %dma_start3A_132] : memref<16384x128xf32, #tpu.memory_space<hbm>> -> memref<128x128xf32, #tpu.memory_space<hbm>>
    %dma_start3A_134 = arith.constant 0 : i32
    %dma_start3A_135 = tpu.memref_slice %arg6[%add3A_126, %dma_start3A_134] : memref<16384x128xf32, #tpu.memory_space<hbm>> -> memref<128x128xf32, #tpu.memory_space<hbm>>
    %dma_start3A_136 = arith.constant 0 : i32
    %dma_start3A_137 = arith.constant 0 : i32
    %dma_start3A_138 = tpu.memref_slice %arg10[%dma_start3A_127, %dma_start3A_136, %dma_start3A_137] : memref<2x128x128xf32, #tpu.memory_space<vmem>> -> memref<1x128x128xf32, #tpu.memory_space<vmem>>
    %dma_start3A_139 = tpu.memref_squeeze %dma_start3A_138 : memref<1x128x128xf32, #tpu.memory_space<vmem>> -> memref<128x128xf32, #tpu.memory_space<vmem>>
    tpu.enqueue_dma source(%dma_start3A_139 : memref<128x128xf32, #tpu.memory_space<vmem>>) target(%dma_start3A_135 : memref<128x128xf32, #tpu.memory_space<hbm>>) target_semaphore(%arg13 : memref<!tpu.dma_semaphore, #tpu.memory_space<semaphore_mem>>)
    %dma_start3A_140 = arith.constant 1 : i32
    %dma_start3A_141 = arith.constant 0 : i32
    %dma_start3A_142 = arith.constant 0 : i32
    %dma_start3A_143 = tpu.memref_slice %arg11[%dma_start3A_140, %dma_start3A_141, %dma_start3A_142] : memref<2x128x128xf32, #tpu.memory_space<vmem>> -> memref<1x128x128xf32, #tpu.memory_space<vmem>>
    %dma_start3A_144 = tpu.memref_squeeze %dma_start3A_143 : memref<1x128x128xf32, #tpu.memory_space<vmem>> -> memref<128x128xf32, #tpu.memory_space<vmem>>
    %dma_start3A_145 = arith.constant 0 : i32
    %dma_start3A_146 = tpu.memref_slice %arg7[%add3A_126, %dma_start3A_145] : memref<16384x128xf32, #tpu.memory_space<hbm>> -> memref<128x128xf32, #tpu.memory_space<hbm>>
    %dma_start3A_147 = arith.constant 0 : i32
    %dma_start3A_148 = tpu.memref_slice %arg7[%add3A_126, %dma_start3A_147] : memref<16384x128xf32, #tpu.memory_space<hbm>> -> memref<128x128xf32, #tpu.memory_space<hbm>>
    %dma_start3A_149 = arith.constant 0 : i32
    %dma_start3A_150 = arith.constant 0 : i32
    %dma_start3A_151 = tpu.memref_slice %arg11[%dma_start3A_140, %dma_start3A_149, %dma_start3A_150] : memref<2x128x128xf32, #tpu.memory_space<vmem>> -> memref<1x128x128xf32, #tpu.memory_space<vmem>>
    %dma_start3A_152 = tpu.memref_squeeze %dma_start3A_151 : memref<1x128x128xf32, #tpu.memory_space<vmem>> -> memref<128x128xf32, #tpu.memory_space<vmem>>
    tpu.enqueue_dma source(%dma_start3A_152 : memref<128x128xf32, #tpu.memory_space<vmem>>) target(%dma_start3A_148 : memref<128x128xf32, #tpu.memory_space<hbm>>) target_semaphore(%arg13 : memref<!tpu.dma_semaphore, #tpu.memory_space<semaphore_mem>>)
    %dma_wait3A_153 = arith.constant 0 : i32
    %dma_wait3A_154 = arith.constant 0 : i32
    %dma_wait3A_155 = arith.constant 0 : i32
    %dma_wait3A_156 = tpu.memref_slice %arg10[%dma_wait3A_153, %dma_wait3A_154, %dma_wait3A_155] : memref<2x128x128xf32, #tpu.memory_space<vmem>> -> memref<1x128x128xf32, #tpu.memory_space<vmem>>
    %dma_wait3A_157 = tpu.memref_squeeze %dma_wait3A_156 : memref<1x128x128xf32, #tpu.memory_space<vmem>> -> memref<128x128xf32, #tpu.memory_space<vmem>>
    %dma_wait3A_158 = arith.constant 0 : i32
    %dma_wait3A_159 = tpu.memref_slice %arg6[%add3A_50, %dma_wait3A_158] : memref<16384x128xf32, #tpu.memory_space<hbm>> -> memref<128x128xf32, #tpu.memory_space<hbm>>
    %dma_wait3A_160 = arith.constant 0 : i32
    %dma_wait3A_161 = tpu.memref_slice %arg6[%add3A_50, %dma_wait3A_160] : memref<16384x128xf32, #tpu.memory_space<hbm>> -> memref<128x128xf32, #tpu.memory_space<hbm>>
    %dma_wait3A_162 = arith.constant 0 : i32
    %dma_wait3A_163 = arith.constant 0 : i32
    %dma_wait3A_164 = tpu.memref_slice %arg10[%dma_wait3A_153, %dma_wait3A_162, %dma_wait3A_163] : memref<2x128x128xf32, #tpu.memory_space<vmem>> -> memref<1x128x128xf32, #tpu.memory_space<vmem>>
    %dma_wait3A_165 = tpu.memref_squeeze %dma_wait3A_164 : memref<1x128x128xf32, #tpu.memory_space<vmem>> -> memref<128x128xf32, #tpu.memory_space<vmem>>
    tpu.wait_dma2 semaphore(%arg13 : memref<!tpu.dma_semaphore, #tpu.memory_space<semaphore_mem>>) src(%dma_wait3A_165 : memref<128x128xf32, #tpu.memory_space<vmem>>) dst(%dma_wait3A_161 : memref<128x128xf32, #tpu.memory_space<hbm>>)
    %dma_wait3A_166 = arith.constant 0 : i32
    %dma_wait3A_167 = arith.constant 0 : i32
    %dma_wait3A_168 = arith.constant 0 : i32
    %dma_wait3A_169 = tpu.memref_slice %arg11[%dma_wait3A_166, %dma_wait3A_167, %dma_wait3A_168] : memref<2x128x128xf32, #tpu.memory_space<vmem>> -> memref<1x128x128xf32, #tpu.memory_space<vmem>>
    %dma_wait3A_170 = tpu.memref_squeeze %dma_wait3A_169 : memref<1x128x128xf32, #tpu.memory_space<vmem>> -> memref<128x128xf32, #tpu.memory_space<vmem>>
    %dma_wait3A_171 = arith.constant 0 : i32
    %dma_wait3A_172 = tpu.memref_slice %arg7[%add3A_50, %dma_wait3A_171] : memref<16384x128xf32, #tpu.memory_space<hbm>> -> memref<128x128xf32, #tpu.memory_space<hbm>>
    %dma_wait3A_173 = arith.constant 0 : i32
    %dma_wait3A_174 = tpu.memref_slice %arg7[%add3A_50, %dma_wait3A_173] : memref<16384x128xf32, #tpu.memory_space<hbm>> -> memref<128x128xf32, #tpu.memory_space<hbm>>
    %dma_wait3A_175 = arith.constant 0 : i32
    %dma_wait3A_176 = arith.constant 0 : i32
    %dma_wait3A_177 = tpu.memref_slice %arg11[%dma_wait3A_166, %dma_wait3A_175, %dma_wait3A_176] : memref<2x128x128xf32, #tpu.memory_space<vmem>> -> memref<1x128x128xf32, #tpu.memory_space<vmem>>
    %dma_wait3A_178 = tpu.memref_squeeze %dma_wait3A_177 : memref<1x128x128xf32, #tpu.memory_space<vmem>> -> memref<128x128xf32, #tpu.memory_space<vmem>>
    tpu.wait_dma2 semaphore(%arg13 : memref<!tpu.dma_semaphore, #tpu.memory_space<semaphore_mem>>) src(%dma_wait3A_178 : memref<128x128xf32, #tpu.memory_space<vmem>>) dst(%dma_wait3A_174 : memref<128x128xf32, #tpu.memory_space<hbm>>)
    %dma_start3A_179 = arith.constant 2 : i32
    %dma_start3A_180 = arith.constant 0 : i32
    %dma_start3A_181 = arith.constant 0 : i32
    %dma_start3A_182 = arith.constant 0 : i32
    %dma_start3A_183 = tpu.memref_slice %arg10[%dma_start3A_180, %dma_start3A_181, %dma_start3A_182] : memref<2x128x128xf32, #tpu.memory_space<vmem>> -> memref<1x128x128xf32, #tpu.memory_space<vmem>>
    %dma_start3A_184 = tpu.memref_squeeze %dma_start3A_183 : memref<1x128x128xf32, #tpu.memory_space<vmem>> -> memref<128x128xf32, #tpu.memory_space<vmem>>
    %dma_start3A_185 = arith.constant 0 : i32
    %dma_start3A_186 = tpu.memref_slice %arg8[%dma_start3A_179, %dma_start3A_185] : memref<4x128xi32, #tpu.memory_space<vmem>> -> memref<1x128xi32, #tpu.memory_space<vmem>>
    %dma_start3A_187 = tpu.memref_squeeze %dma_start3A_186 : memref<1x128xi32, #tpu.memory_space<vmem>> -> memref<128xi32, #tpu.memory_space<vmem>>
    %dma_start3A_188 = arith.constant 0 : i32
    %dma_start3A_189 = arith.constant 0 : i32
    %dma_start3A_190 = tpu.memref_slice %arg2[%dma_start3A_188, %dma_start3A_189] : memref<507904x128xf32, #tpu.memory_space<hbm>> -> memref<507904x128xf32, #tpu.memory_space<hbm>>
    tpu.enqueue_indirect_dma source(%dma_start3A_190 : memref<507904x128xf32, #tpu.memory_space<hbm>>) target(%dma_start3A_184 : memref<128x128xf32, #tpu.memory_space<vmem>>) offsets(%dma_start3A_187 : memref<128xi32, #tpu.memory_space<vmem>>) semaphore(%arg12 : memref<!tpu.dma_semaphore, #tpu.memory_space<semaphore_mem>>)
    %dma_start3A_191 = arith.constant 2 : i32
    %dma_start3A_192 = arith.constant 0 : i32
    %dma_start3A_193 = arith.constant 0 : i32
    %dma_start3A_194 = arith.constant 0 : i32
    %dma_start3A_195 = tpu.memref_slice %arg11[%dma_start3A_192, %dma_start3A_193, %dma_start3A_194] : memref<2x128x128xf32, #tpu.memory_space<vmem>> -> memref<1x128x128xf32, #tpu.memory_space<vmem>>
    %dma_start3A_196 = tpu.memref_squeeze %dma_start3A_195 : memref<1x128x128xf32, #tpu.memory_space<vmem>> -> memref<128x128xf32, #tpu.memory_space<vmem>>
    %dma_start3A_197 = arith.constant 0 : i32
    %dma_start3A_198 = tpu.memref_slice %arg9[%dma_start3A_191, %dma_start3A_197] : memref<4x128xi32, #tpu.memory_space<vmem>> -> memref<1x128xi32, #tpu.memory_space<vmem>>
    %dma_start3A_199 = tpu.memref_squeeze %dma_start3A_198 : memref<1x128xi32, #tpu.memory_space<vmem>> -> memref<128xi32, #tpu.memory_space<vmem>>
    %dma_start3A_200 = arith.constant 0 : i32
    %dma_start3A_201 = arith.constant 0 : i32
    %dma_start3A_202 = tpu.memref_slice %arg4[%dma_start3A_200, %dma_start3A_201] : memref<507904x128xf32, #tpu.memory_space<hbm>> -> memref<507904x128xf32, #tpu.memory_space<hbm>>
    tpu.enqueue_indirect_dma source(%dma_start3A_202 : memref<507904x128xf32, #tpu.memory_space<hbm>>) target(%dma_start3A_196 : memref<128x128xf32, #tpu.memory_space<vmem>>) offsets(%dma_start3A_199 : memref<128xi32, #tpu.memory_space<vmem>>) semaphore(%arg12 : memref<!tpu.dma_semaphore, #tpu.memory_space<semaphore_mem>>)
    %dma_wait3A_203 = arith.constant 2 : i32
    %dma_wait3A_204 = arith.constant 0 : i32
    %dma_wait3A_205 = arith.constant 0 : i32
    %dma_wait3A_206 = arith.constant 0 : i32
    %dma_wait3A_207 = tpu.memref_slice %arg10[%dma_wait3A_204, %dma_wait3A_205, %dma_wait3A_206] : memref<2x128x128xf32, #tpu.memory_space<vmem>> -> memref<1x128x128xf32, #tpu.memory_space<vmem>>
    %dma_wait3A_208 = tpu.memref_squeeze %dma_wait3A_207 : memref<1x128x128xf32, #tpu.memory_space<vmem>> -> memref<128x128xf32, #tpu.memory_space<vmem>>
    %dma_wait3A_209 = arith.constant 0 : i32
    %dma_wait3A_210 = tpu.memref_slice %arg8[%dma_wait3A_203, %dma_wait3A_209] : memref<4x128xi32, #tpu.memory_space<vmem>> -> memref<1x128xi32, #tpu.memory_space<vmem>>
    %dma_wait3A_211 = tpu.memref_squeeze %dma_wait3A_210 : memref<1x128xi32, #tpu.memory_space<vmem>> -> memref<128xi32, #tpu.memory_space<vmem>>
    %dma_wait3A_212 = arith.constant 0 : i32
    %dma_wait3A_213 = arith.constant 0 : i32
    %dma_wait3A_214 = tpu.memref_slice %arg2[%dma_wait3A_212, %dma_wait3A_213] : memref<507904x128xf32, #tpu.memory_space<hbm>> -> memref<507904x128xf32, #tpu.memory_space<hbm>>
    tpu.wait_indirect_dma semaphore(%arg12 : memref<!tpu.dma_semaphore, #tpu.memory_space<semaphore_mem>>) src(%dma_wait3A_214 : memref<507904x128xf32, #tpu.memory_space<hbm>>) dst(%dma_wait3A_208 : memref<128x128xf32, #tpu.memory_space<vmem>>)
    %dma_wait3A_215 = arith.constant 2 : i32
    %dma_wait3A_216 = arith.constant 0 : i32
    %dma_wait3A_217 = arith.constant 0 : i32
    %dma_wait3A_218 = arith.constant 0 : i32
    %dma_wait3A_219 = tpu.memref_slice %arg11[%dma_wait3A_216, %dma_wait3A_217, %dma_wait3A_218] : memref<2x128x128xf32, #tpu.memory_space<vmem>> -> memref<1x128x128xf32, #tpu.memory_space<vmem>>
    %dma_wait3A_220 = tpu.memref_squeeze %dma_wait3A_219 : memref<1x128x128xf32, #tpu.memory_space<vmem>> -> memref<128x128xf32, #tpu.memory_space<vmem>>
    %dma_wait3A_221 = arith.constant 0 : i32
    %dma_wait3A_222 = tpu.memref_slice %arg9[%dma_wait3A_215, %dma_wait3A_221] : memref<4x128xi32, #tpu.memory_space<vmem>> -> memref<1x128xi32, #tpu.memory_space<vmem>>
    %dma_wait3A_223 = tpu.memref_squeeze %dma_wait3A_222 : memref<1x128xi32, #tpu.memory_space<vmem>> -> memref<128xi32, #tpu.memory_space<vmem>>
    %dma_wait3A_224 = arith.constant 0 : i32
    %dma_wait3A_225 = arith.constant 0 : i32
    %dma_wait3A_226 = tpu.memref_slice %arg4[%dma_wait3A_224, %dma_wait3A_225] : memref<507904x128xf32, #tpu.memory_space<hbm>> -> memref<507904x128xf32, #tpu.memory_space<hbm>>
    tpu.wait_indirect_dma semaphore(%arg12 : memref<!tpu.dma_semaphore, #tpu.memory_space<semaphore_mem>>) src(%dma_wait3A_226 : memref<507904x128xf32, #tpu.memory_space<hbm>>) dst(%dma_wait3A_220 : memref<128x128xf32, #tpu.memory_space<vmem>>)
    %add3A_227 = arith.constant 256 : i32
    %add3A_228 = arith.addi %mul3A_2, %add3A_227 : i32
    %dma_start3A_229 = arith.constant 0 : i32
    %dma_start3A_230 = arith.constant 0 : i32
    %dma_start3A_231 = arith.constant 0 : i32
    %dma_start3A_232 = tpu.memref_slice %arg10[%dma_start3A_229, %dma_start3A_230, %dma_start3A_231] : memref<2x128x128xf32, #tpu.memory_space<vmem>> -> memref<1x128x128xf32, #tpu.memory_space<vmem>>
    %dma_start3A_233 = tpu.memref_squeeze %dma_start3A_232 : memref<1x128x128xf32, #tpu.memory_space<vmem>> -> memref<128x128xf32, #tpu.memory_space<vmem>>
    %dma_start3A_234 = arith.constant 0 : i32
    %dma_start3A_235 = tpu.memref_slice %arg6[%add3A_228, %dma_start3A_234] : memref<16384x128xf32, #tpu.memory_space<hbm>> -> memref<128x128xf32, #tpu.memory_space<hbm>>
    %dma_start3A_236 = arith.constant 0 : i32
    %dma_start3A_237 = tpu.memref_slice %arg6[%add3A_228, %dma_start3A_236] : memref<16384x128xf32, #tpu.memory_space<hbm>> -> memref<128x128xf32, #tpu.memory_space<hbm>>
    %dma_start3A_238 = arith.constant 0 : i32
    %dma_start3A_239 = arith.constant 0 : i32
    %dma_start3A_240 = tpu.memref_slice %arg10[%dma_start3A_229, %dma_start3A_238, %dma_start3A_239] : memref<2x128x128xf32, #tpu.memory_space<vmem>> -> memref<1x128x128xf32, #tpu.memory_space<vmem>>
    %dma_start3A_241 = tpu.memref_squeeze %dma_start3A_240 : memref<1x128x128xf32, #tpu.memory_space<vmem>> -> memref<128x128xf32, #tpu.memory_space<vmem>>
    tpu.enqueue_dma source(%dma_start3A_241 : memref<128x128xf32, #tpu.memory_space<vmem>>) target(%dma_start3A_237 : memref<128x128xf32, #tpu.memory_space<hbm>>) target_semaphore(%arg13 : memref<!tpu.dma_semaphore, #tpu.memory_space<semaphore_mem>>)
    %dma_start3A_242 = arith.constant 0 : i32
    %dma_start3A_243 = arith.constant 0 : i32
    %dma_start3A_244 = arith.constant 0 : i32
    %dma_start3A_245 = tpu.memref_slice %arg11[%dma_start3A_242, %dma_start3A_243, %dma_start3A_244] : memref<2x128x128xf32, #tpu.memory_space<vmem>> -> memref<1x128x128xf32, #tpu.memory_space<vmem>>
    %dma_start3A_246 = tpu.memref_squeeze %dma_start3A_245 : memref<1x128x128xf32, #tpu.memory_space<vmem>> -> memref<128x128xf32, #tpu.memory_space<vmem>>
    %dma_start3A_247 = arith.constant 0 : i32
    %dma_start3A_248 = tpu.memref_slice %arg7[%add3A_228, %dma_start3A_247] : memref<16384x128xf32, #tpu.memory_space<hbm>> -> memref<128x128xf32, #tpu.memory_space<hbm>>
    %dma_start3A_249 = arith.constant 0 : i32
    %dma_start3A_250 = tpu.memref_slice %arg7[%add3A_228, %dma_start3A_249] : memref<16384x128xf32, #tpu.memory_space<hbm>> -> memref<128x128xf32, #tpu.memory_space<hbm>>
    %dma_start3A_251 = arith.constant 0 : i32
    %dma_start3A_252 = arith.constant 0 : i32
    %dma_start3A_253 = tpu.memref_slice %arg11[%dma_start3A_242, %dma_start3A_251, %dma_start3A_252] : memref<2x128x128xf32, #tpu.memory_space<vmem>> -> memref<1x128x128xf32, #tpu.memory_space<vmem>>
    %dma_start3A_254 = tpu.memref_squeeze %dma_start3A_253 : memref<1x128x128xf32, #tpu.memory_space<vmem>> -> memref<128x128xf32, #tpu.memory_space<vmem>>
    tpu.enqueue_dma source(%dma_start3A_254 : memref<128x128xf32, #tpu.memory_space<vmem>>) target(%dma_start3A_250 : memref<128x128xf32, #tpu.memory_space<hbm>>) target_semaphore(%arg13 : memref<!tpu.dma_semaphore, #tpu.memory_space<semaphore_mem>>)
    %dma_wait3A_255 = arith.constant 1 : i32
    %dma_wait3A_256 = arith.constant 0 : i32
    %dma_wait3A_257 = arith.constant 0 : i32
    %dma_wait3A_258 = tpu.memref_slice %arg10[%dma_wait3A_255, %dma_wait3A_256, %dma_wait3A_257] : memref<2x128x128xf32, #tpu.memory_space<vmem>> -> memref<1x128x128xf32, #tpu.memory_space<vmem>>
    %dma_wait3A_259 = tpu.memref_squeeze %dma_wait3A_258 : memref<1x128x128xf32, #tpu.memory_space<vmem>> -> memref<128x128xf32, #tpu.memory_space<vmem>>
    %dma_wait3A_260 = arith.constant 0 : i32
    %dma_wait3A_261 = tpu.memref_slice %arg6[%add3A_126, %dma_wait3A_260] : memref<16384x128xf32, #tpu.memory_space<hbm>> -> memref<128x128xf32, #tpu.memory_space<hbm>>
    %dma_wait3A_262 = arith.constant 0 : i32
    %dma_wait3A_263 = tpu.memref_slice %arg6[%add3A_126, %dma_wait3A_262] : memref<16384x128xf32, #tpu.memory_space<hbm>> -> memref<128x128xf32, #tpu.memory_space<hbm>>
    %dma_wait3A_264 = arith.constant 0 : i32
    %dma_wait3A_265 = arith.constant 0 : i32
    %dma_wait3A_266 = tpu.memref_slice %arg10[%dma_wait3A_255, %dma_wait3A_264, %dma_wait3A_265] : memref<2x128x128xf32, #tpu.memory_space<vmem>> -> memref<1x128x128xf32, #tpu.memory_space<vmem>>
    %dma_wait3A_267 = tpu.memref_squeeze %dma_wait3A_266 : memref<1x128x128xf32, #tpu.memory_space<vmem>> -> memref<128x128xf32, #tpu.memory_space<vmem>>
    tpu.wait_dma2 semaphore(%arg13 : memref<!tpu.dma_semaphore, #tpu.memory_space<semaphore_mem>>) src(%dma_wait3A_267 : memref<128x128xf32, #tpu.memory_space<vmem>>) dst(%dma_wait3A_263 : memref<128x128xf32, #tpu.memory_space<hbm>>)
    %dma_wait3A_268 = arith.constant 1 : i32
    %dma_wait3A_269 = arith.constant 0 : i32
    %dma_wait3A_270 = arith.constant 0 : i32
    %dma_wait3A_271 = tpu.memref_slice %arg11[%dma_wait3A_268, %dma_wait3A_269, %dma_wait3A_270] : memref<2x128x128xf32, #tpu.memory_space<vmem>> -> memref<1x128x128xf32, #tpu.memory_space<vmem>>
    %dma_wait3A_272 = tpu.memref_squeeze %dma_wait3A_271 : memref<1x128x128xf32, #tpu.memory_space<vmem>> -> memref<128x128xf32, #tpu.memory_space<vmem>>
    %dma_wait3A_273 = arith.constant 0 : i32
    %dma_wait3A_274 = tpu.memref_slice %arg7[%add3A_126, %dma_wait3A_273] : memref<16384x128xf32, #tpu.memory_space<hbm>> -> memref<128x128xf32, #tpu.memory_space<hbm>>
    %dma_wait3A_275 = arith.constant 0 : i32
    %dma_wait3A_276 = tpu.memref_slice %arg7[%add3A_126, %dma_wait3A_275] : memref<16384x128xf32, #tpu.memory_space<hbm>> -> memref<128x128xf32, #tpu.memory_space<hbm>>
    %dma_wait3A_277 = arith.constant 0 : i32
    %dma_wait3A_278 = arith.constant 0 : i32
    %dma_wait3A_279 = tpu.memref_slice %arg11[%dma_wait3A_268, %dma_wait3A_277, %dma_wait3A_278] : memref<2x128x128xf32, #tpu.memory_space<vmem>> -> memref<1x128x128xf32, #tpu.memory_space<vmem>>
    %dma_wait3A_280 = tpu.memref_squeeze %dma_wait3A_279 : memref<1x128x128xf32, #tpu.memory_space<vmem>> -> memref<128x128xf32, #tpu.memory_space<vmem>>
    tpu.wait_dma2 semaphore(%arg13 : memref<!tpu.dma_semaphore, #tpu.memory_space<semaphore_mem>>) src(%dma_wait3A_280 : memref<128x128xf32, #tpu.memory_space<vmem>>) dst(%dma_wait3A_276 : memref<128x128xf32, #tpu.memory_space<hbm>>)
    %dma_start3A_281 = arith.constant 3 : i32
    %dma_start3A_282 = arith.constant 1 : i32
    %dma_start3A_283 = arith.constant 0 : i32
    %dma_start3A_284 = arith.constant 0 : i32
    %dma_start3A_285 = tpu.memref_slice %arg10[%dma_start3A_282, %dma_start3A_283, %dma_start3A_284] : memref<2x128x128xf32, #tpu.memory_space<vmem>> -> memref<1x128x128xf32, #tpu.memory_space<vmem>>
    %dma_start3A_286 = tpu.memref_squeeze %dma_start3A_285 : memref<1x128x128xf32, #tpu.memory_space<vmem>> -> memref<128x128xf32, #tpu.memory_space<vmem>>
    %dma_start3A_287 = arith.constant 0 : i32
    %dma_start3A_288 = tpu.memref_slice %arg8[%dma_start3A_281, %dma_start3A_287] : memref<4x128xi32, #tpu.memory_space<vmem>> -> memref<1x128xi32, #tpu.memory_space<vmem>>
    %dma_start3A_289 = tpu.memref_squeeze %dma_start3A_288 : memref<1x128xi32, #tpu.memory_space<vmem>> -> memref<128xi32, #tpu.memory_space<vmem>>
    %dma_start3A_290 = arith.constant 0 : i32
    %dma_start3A_291 = arith.constant 0 : i32
    %dma_start3A_292 = tpu.memref_slice %arg2[%dma_start3A_290, %dma_start3A_291] : memref<507904x128xf32, #tpu.memory_space<hbm>> -> memref<507904x128xf32, #tpu.memory_space<hbm>>
    tpu.enqueue_indirect_dma source(%dma_start3A_292 : memref<507904x128xf32, #tpu.memory_space<hbm>>) target(%dma_start3A_286 : memref<128x128xf32, #tpu.memory_space<vmem>>) offsets(%dma_start3A_289 : memref<128xi32, #tpu.memory_space<vmem>>) semaphore(%arg12 : memref<!tpu.dma_semaphore, #tpu.memory_space<semaphore_mem>>)
    %dma_start3A_293 = arith.constant 3 : i32
    %dma_start3A_294 = arith.constant 1 : i32
    %dma_start3A_295 = arith.constant 0 : i32
    %dma_start3A_296 = arith.constant 0 : i32
    %dma_start3A_297 = tpu.memref_slice %arg11[%dma_start3A_294, %dma_start3A_295, %dma_start3A_296] : memref<2x128x128xf32, #tpu.memory_space<vmem>> -> memref<1x128x128xf32, #tpu.memory_space<vmem>>
    %dma_start3A_298 = tpu.memref_squeeze %dma_start3A_297 : memref<1x128x128xf32, #tpu.memory_space<vmem>> -> memref<128x128xf32, #tpu.memory_space<vmem>>
    %dma_start3A_299 = arith.constant 0 : i32
    %dma_start3A_300 = tpu.memref_slice %arg9[%dma_start3A_293, %dma_start3A_299] : memref<4x128xi32, #tpu.memory_space<vmem>> -> memref<1x128xi32, #tpu.memory_space<vmem>>
    %dma_start3A_301 = tpu.memref_squeeze %dma_start3A_300 : memref<1x128xi32, #tpu.memory_space<vmem>> -> memref<128xi32, #tpu.memory_space<vmem>>
    %dma_start3A_302 = arith.constant 0 : i32
    %dma_start3A_303 = arith.constant 0 : i32
    %dma_start3A_304 = tpu.memref_slice %arg4[%dma_start3A_302, %dma_start3A_303] : memref<507904x128xf32, #tpu.memory_space<hbm>> -> memref<507904x128xf32, #tpu.memory_space<hbm>>
    tpu.enqueue_indirect_dma source(%dma_start3A_304 : memref<507904x128xf32, #tpu.memory_space<hbm>>) target(%dma_start3A_298 : memref<128x128xf32, #tpu.memory_space<vmem>>) offsets(%dma_start3A_301 : memref<128xi32, #tpu.memory_space<vmem>>) semaphore(%arg12 : memref<!tpu.dma_semaphore, #tpu.memory_space<semaphore_mem>>)
    %dma_wait3A_305 = arith.constant 3 : i32
    %dma_wait3A_306 = arith.constant 1 : i32
    %dma_wait3A_307 = arith.constant 0 : i32
    %dma_wait3A_308 = arith.constant 0 : i32
    %dma_wait3A_309 = tpu.memref_slice %arg10[%dma_wait3A_306, %dma_wait3A_307, %dma_wait3A_308] : memref<2x128x128xf32, #tpu.memory_space<vmem>> -> memref<1x128x128xf32, #tpu.memory_space<vmem>>
    %dma_wait3A_310 = tpu.memref_squeeze %dma_wait3A_309 : memref<1x128x128xf32, #tpu.memory_space<vmem>> -> memref<128x128xf32, #tpu.memory_space<vmem>>
    %dma_wait3A_311 = arith.constant 0 : i32
    %dma_wait3A_312 = tpu.memref_slice %arg8[%dma_wait3A_305, %dma_wait3A_311] : memref<4x128xi32, #tpu.memory_space<vmem>> -> memref<1x128xi32, #tpu.memory_space<vmem>>
    %dma_wait3A_313 = tpu.memref_squeeze %dma_wait3A_312 : memref<1x128xi32, #tpu.memory_space<vmem>> -> memref<128xi32, #tpu.memory_space<vmem>>
    %dma_wait3A_314 = arith.constant 0 : i32
    %dma_wait3A_315 = arith.constant 0 : i32
    %dma_wait3A_316 = tpu.memref_slice %arg2[%dma_wait3A_314, %dma_wait3A_315] : memref<507904x128xf32, #tpu.memory_space<hbm>> -> memref<507904x128xf32, #tpu.memory_space<hbm>>
    tpu.wait_indirect_dma semaphore(%arg12 : memref<!tpu.dma_semaphore, #tpu.memory_space<semaphore_mem>>) src(%dma_wait3A_316 : memref<507904x128xf32, #tpu.memory_space<hbm>>) dst(%dma_wait3A_310 : memref<128x128xf32, #tpu.memory_space<vmem>>)
    %dma_wait3A_317 = arith.constant 3 : i32
    %dma_wait3A_318 = arith.constant 1 : i32
    %dma_wait3A_319 = arith.constant 0 : i32
    %dma_wait3A_320 = arith.constant 0 : i32
    %dma_wait3A_321 = tpu.memref_slice %arg11[%dma_wait3A_318, %dma_wait3A_319, %dma_wait3A_320] : memref<2x128x128xf32, #tpu.memory_space<vmem>> -> memref<1x128x128xf32, #tpu.memory_space<vmem>>
    %dma_wait3A_322 = tpu.memref_squeeze %dma_wait3A_321 : memref<1x128x128xf32, #tpu.memory_space<vmem>> -> memref<128x128xf32, #tpu.memory_space<vmem>>
    %dma_wait3A_323 = arith.constant 0 : i32
    %dma_wait3A_324 = tpu.memref_slice %arg9[%dma_wait3A_317, %dma_wait3A_323] : memref<4x128xi32, #tpu.memory_space<vmem>> -> memref<1x128xi32, #tpu.memory_space<vmem>>
    %dma_wait3A_325 = tpu.memref_squeeze %dma_wait3A_324 : memref<1x128xi32, #tpu.memory_space<vmem>> -> memref<128xi32, #tpu.memory_space<vmem>>
    %dma_wait3A_326 = arith.constant 0 : i32
    %dma_wait3A_327 = arith.constant 0 : i32
    %dma_wait3A_328 = tpu.memref_slice %arg4[%dma_wait3A_326, %dma_wait3A_327] : memref<507904x128xf32, #tpu.memory_space<hbm>> -> memref<507904x128xf32, #tpu.memory_space<hbm>>
    tpu.wait_indirect_dma semaphore(%arg12 : memref<!tpu.dma_semaphore, #tpu.memory_space<semaphore_mem>>) src(%dma_wait3A_328 : memref<507904x128xf32, #tpu.memory_space<hbm>>) dst(%dma_wait3A_322 : memref<128x128xf32, #tpu.memory_space<vmem>>)
    %add3A_329 = arith.constant 384 : i32
    %add3A_330 = arith.addi %mul3A_2, %add3A_329 : i32
    %dma_start3A_331 = arith.constant 1 : i32
    %dma_start3A_332 = arith.constant 0 : i32
    %dma_start3A_333 = arith.constant 0 : i32
    %dma_start3A_334 = tpu.memref_slice %arg10[%dma_start3A_331, %dma_start3A_332, %dma_start3A_333] : memref<2x128x128xf32, #tpu.memory_space<vmem>> -> memref<1x128x128xf32, #tpu.memory_space<vmem>>
    %dma_start3A_335 = tpu.memref_squeeze %dma_start3A_334 : memref<1x128x128xf32, #tpu.memory_space<vmem>> -> memref<128x128xf32, #tpu.memory_space<vmem>>
    %dma_start3A_336 = arith.constant 0 : i32
    %dma_start3A_337 = tpu.memref_slice %arg6[%add3A_330, %dma_start3A_336] : memref<16384x128xf32, #tpu.memory_space<hbm>> -> memref<128x128xf32, #tpu.memory_space<hbm>>
    %dma_start3A_338 = arith.constant 0 : i32
    %dma_start3A_339 = tpu.memref_slice %arg6[%add3A_330, %dma_start3A_338] : memref<16384x128xf32, #tpu.memory_space<hbm>> -> memref<128x128xf32, #tpu.memory_space<hbm>>
    %dma_start3A_340 = arith.constant 0 : i32
    %dma_start3A_341 = arith.constant 0 : i32
    %dma_start3A_342 = tpu.memref_slice %arg10[%dma_start3A_331, %dma_start3A_340, %dma_start3A_341] : memref<2x128x128xf32, #tpu.memory_space<vmem>> -> memref<1x128x128xf32, #tpu.memory_space<vmem>>
    %dma_start3A_343 = tpu.memref_squeeze %dma_start3A_342 : memref<1x128x128xf32, #tpu.memory_space<vmem>> -> memref<128x128xf32, #tpu.memory_space<vmem>>
    tpu.enqueue_dma source(%dma_start3A_343 : memref<128x128xf32, #tpu.memory_space<vmem>>) target(%dma_start3A_339 : memref<128x128xf32, #tpu.memory_space<hbm>>) target_semaphore(%arg13 : memref<!tpu.dma_semaphore, #tpu.memory_space<semaphore_mem>>)
    %dma_start3A_344 = arith.constant 1 : i32
    %dma_start3A_345 = arith.constant 0 : i32
    %dma_start3A_346 = arith.constant 0 : i32
    %dma_start3A_347 = tpu.memref_slice %arg11[%dma_start3A_344, %dma_start3A_345, %dma_start3A_346] : memref<2x128x128xf32, #tpu.memory_space<vmem>> -> memref<1x128x128xf32, #tpu.memory_space<vmem>>
    %dma_start3A_348 = tpu.memref_squeeze %dma_start3A_347 : memref<1x128x128xf32, #tpu.memory_space<vmem>> -> memref<128x128xf32, #tpu.memory_space<vmem>>
    %dma_start3A_349 = arith.constant 0 : i32
    %dma_start3A_350 = tpu.memref_slice %arg7[%add3A_330, %dma_start3A_349] : memref<16384x128xf32, #tpu.memory_space<hbm>> -> memref<128x128xf32, #tpu.memory_space<hbm>>
    %dma_start3A_351 = arith.constant 0 : i32
    %dma_start3A_352 = tpu.memref_slice %arg7[%add3A_330, %dma_start3A_351] : memref<16384x128xf32, #tpu.memory_space<hbm>> -> memref<128x128xf32, #tpu.memory_space<hbm>>
    %dma_start3A_353 = arith.constant 0 : i32
    %dma_start3A_354 = arith.constant 0 : i32
    %dma_start3A_355 = tpu.memref_slice %arg11[%dma_start3A_344, %dma_start3A_353, %dma_start3A_354] : memref<2x128x128xf32, #tpu.memory_space<vmem>> -> memref<1x128x128xf32, #tpu.memory_space<vmem>>
    %dma_start3A_356 = tpu.memref_squeeze %dma_start3A_355 : memref<1x128x128xf32, #tpu.memory_space<vmem>> -> memref<128x128xf32, #tpu.memory_space<vmem>>
    tpu.enqueue_dma source(%dma_start3A_356 : memref<128x128xf32, #tpu.memory_space<vmem>>) target(%dma_start3A_352 : memref<128x128xf32, #tpu.memory_space<hbm>>) target_semaphore(%arg13 : memref<!tpu.dma_semaphore, #tpu.memory_space<semaphore_mem>>)
    %dma_wait3A_357 = arith.constant 0 : i32
    %dma_wait3A_358 = arith.constant 0 : i32
    %dma_wait3A_359 = arith.constant 0 : i32
    %dma_wait3A_360 = tpu.memref_slice %arg10[%dma_wait3A_357, %dma_wait3A_358, %dma_wait3A_359] : memref<2x128x128xf32, #tpu.memory_space<vmem>> -> memref<1x128x128xf32, #tpu.memory_space<vmem>>
    %dma_wait3A_361 = tpu.memref_squeeze %dma_wait3A_360 : memref<1x128x128xf32, #tpu.memory_space<vmem>> -> memref<128x128xf32, #tpu.memory_space<vmem>>
    %dma_wait3A_362 = arith.constant 0 : i32
    %dma_wait3A_363 = tpu.memref_slice %arg6[%add3A_228, %dma_wait3A_362] : memref<16384x128xf32, #tpu.memory_space<hbm>> -> memref<128x128xf32, #tpu.memory_space<hbm>>
    %dma_wait3A_364 = arith.constant 0 : i32
    %dma_wait3A_365 = tpu.memref_slice %arg6[%add3A_228, %dma_wait3A_364] : memref<16384x128xf32, #tpu.memory_space<hbm>> -> memref<128x128xf32, #tpu.memory_space<hbm>>
    %dma_wait3A_366 = arith.constant 0 : i32
    %dma_wait3A_367 = arith.constant 0 : i32
    %dma_wait3A_368 = tpu.memref_slice %arg10[%dma_wait3A_357, %dma_wait3A_366, %dma_wait3A_367] : memref<2x128x128xf32, #tpu.memory_space<vmem>> -> memref<1x128x128xf32, #tpu.memory_space<vmem>>
    %dma_wait3A_369 = tpu.memref_squeeze %dma_wait3A_368 : memref<1x128x128xf32, #tpu.memory_space<vmem>> -> memref<128x128xf32, #tpu.memory_space<vmem>>
    tpu.wait_dma2 semaphore(%arg13 : memref<!tpu.dma_semaphore, #tpu.memory_space<semaphore_mem>>) src(%dma_wait3A_369 : memref<128x128xf32, #tpu.memory_space<vmem>>) dst(%dma_wait3A_365 : memref<128x128xf32, #tpu.memory_space<hbm>>)
    %dma_wait3A_370 = arith.constant 0 : i32
    %dma_wait3A_371 = arith.constant 0 : i32
    %dma_wait3A_372 = arith.constant 0 : i32
    %dma_wait3A_373 = tpu.memref_slice %arg11[%dma_wait3A_370, %dma_wait3A_371, %dma_wait3A_372] : memref<2x128x128xf32, #tpu.memory_space<vmem>> -> memref<1x128x128xf32, #tpu.memory_space<vmem>>
    %dma_wait3A_374 = tpu.memref_squeeze %dma_wait3A_373 : memref<1x128x128xf32, #tpu.memory_space<vmem>> -> memref<128x128xf32, #tpu.memory_space<vmem>>
    %dma_wait3A_375 = arith.constant 0 : i32
    %dma_wait3A_376 = tpu.memref_slice %arg7[%add3A_228, %dma_wait3A_375] : memref<16384x128xf32, #tpu.memory_space<hbm>> -> memref<128x128xf32, #tpu.memory_space<hbm>>
    %dma_wait3A_377 = arith.constant 0 : i32
    %dma_wait3A_378 = tpu.memref_slice %arg7[%add3A_228, %dma_wait3A_377] : memref<16384x128xf32, #tpu.memory_space<hbm>> -> memref<128x128xf32, #tpu.memory_space<hbm>>
    %dma_wait3A_379 = arith.constant 0 : i32
    %dma_wait3A_380 = arith.constant 0 : i32
    %dma_wait3A_381 = tpu.memref_slice %arg11[%dma_wait3A_370, %dma_wait3A_379, %dma_wait3A_380] : memref<2x128x128xf32, #tpu.memory_space<vmem>> -> memref<1x128x128xf32, #tpu.memory_space<vmem>>
    %dma_wait3A_382 = tpu.memref_squeeze %dma_wait3A_381 : memref<1x128x128xf32, #tpu.memory_space<vmem>> -> memref<128x128xf32, #tpu.memory_space<vmem>>
    tpu.wait_dma2 semaphore(%arg13 : memref<!tpu.dma_semaphore, #tpu.memory_space<semaphore_mem>>) src(%dma_wait3A_382 : memref<128x128xf32, #tpu.memory_space<vmem>>) dst(%dma_wait3A_378 : memref<128x128xf32, #tpu.memory_space<hbm>>)
    %dma_wait3A_383 = arith.constant 1 : i32
    %dma_wait3A_384 = arith.constant 0 : i32
    %dma_wait3A_385 = arith.constant 0 : i32
    %dma_wait3A_386 = tpu.memref_slice %arg10[%dma_wait3A_383, %dma_wait3A_384, %dma_wait3A_385] : memref<2x128x128xf32, #tpu.memory_space<vmem>> -> memref<1x128x128xf32, #tpu.memory_space<vmem>>
    %dma_wait3A_387 = tpu.memref_squeeze %dma_wait3A_386 : memref<1x128x128xf32, #tpu.memory_space<vmem>> -> memref<128x128xf32, #tpu.memory_space<vmem>>
    %dma_wait3A_388 = arith.constant 0 : i32
    %dma_wait3A_389 = tpu.memref_slice %arg6[%add3A_330, %dma_wait3A_388] : memref<16384x128xf32, #tpu.memory_space<hbm>> -> memref<128x128xf32, #tpu.memory_space<hbm>>
    %dma_wait3A_390 = arith.constant 0 : i32
    %dma_wait3A_391 = tpu.memref_slice %arg6[%add3A_330, %dma_wait3A_390] : memref<16384x128xf32, #tpu.memory_space<hbm>> -> memref<128x128xf32, #tpu.memory_space<hbm>>
    %dma_wait3A_392 = arith.constant 0 : i32
    %dma_wait3A_393 = arith.constant 0 : i32
    %dma_wait3A_394 = tpu.memref_slice %arg10[%dma_wait3A_383, %dma_wait3A_392, %dma_wait3A_393] : memref<2x128x128xf32, #tpu.memory_space<vmem>> -> memref<1x128x128xf32, #tpu.memory_space<vmem>>
    %dma_wait3A_395 = tpu.memref_squeeze %dma_wait3A_394 : memref<1x128x128xf32, #tpu.memory_space<vmem>> -> memref<128x128xf32, #tpu.memory_space<vmem>>
    tpu.wait_dma2 semaphore(%arg13 : memref<!tpu.dma_semaphore, #tpu.memory_space<semaphore_mem>>) src(%dma_wait3A_395 : memref<128x128xf32, #tpu.memory_space<vmem>>) dst(%dma_wait3A_391 : memref<128x128xf32, #tpu.memory_space<hbm>>)
    %dma_wait3A_396 = arith.constant 1 : i32
    %dma_wait3A_397 = arith.constant 0 : i32
    %dma_wait3A_398 = arith.constant 0 : i32
    %dma_wait3A_399 = tpu.memref_slice %arg11[%dma_wait3A_396, %dma_wait3A_397, %dma_wait3A_398] : memref<2x128x128xf32, #tpu.memory_space<vmem>> -> memref<1x128x128xf32, #tpu.memory_space<vmem>>
    %dma_wait3A_400 = tpu.memref_squeeze %dma_wait3A_399 : memref<1x128x128xf32, #tpu.memory_space<vmem>> -> memref<128x128xf32, #tpu.memory_space<vmem>>
    %dma_wait3A_401 = arith.constant 0 : i32
    %dma_wait3A_402 = tpu.memref_slice %arg7[%add3A_330, %dma_wait3A_401] : memref<16384x128xf32, #tpu.memory_space<hbm>> -> memref<128x128xf32, #tpu.memory_space<hbm>>
    %dma_wait3A_403 = arith.constant 0 : i32
    %dma_wait3A_404 = tpu.memref_slice %arg7[%add3A_330, %dma_wait3A_403] : memref<16384x128xf32, #tpu.memory_space<hbm>> -> memref<128x128xf32, #tpu.memory_space<hbm>>
    %dma_wait3A_405 = arith.constant 0 : i32
    %dma_wait3A_406 = arith.constant 0 : i32
    %dma_wait3A_407 = tpu.memref_slice %arg11[%dma_wait3A_396, %dma_wait3A_405, %dma_wait3A_406] : memref<2x128x128xf32, #tpu.memory_space<vmem>> -> memref<1x128x128xf32, #tpu.memory_space<vmem>>
    %dma_wait3A_408 = tpu.memref_squeeze %dma_wait3A_407 : memref<1x128x128xf32, #tpu.memory_space<vmem>> -> memref<128x128xf32, #tpu.memory_space<vmem>>
    tpu.wait_dma2 semaphore(%arg13 : memref<!tpu.dma_semaphore, #tpu.memory_space<semaphore_mem>>) src(%dma_wait3A_408 : memref<128x128xf32, #tpu.memory_space<vmem>>) dst(%dma_wait3A_404 : memref<128x128xf32, #tpu.memory_space<hbm>>)
    return
  }
}

</mosaic_0001>

<sc_bundles>
// kernel: _sc_gather.3.cloned.1.call-start
scs
__scs_entry_jumppad:
0x0: {  	(pc) =	sbr.rel $0x88, $3  }
0x1: {  	(tag) =	ssettag $0x0;
	lr =	simm.s32 $0x1  }
0x2: {  	[smem:$0x3F9D] =	sst lr;
	_ =	strace $0xD0000000  }
0x3: {  	_ = 	snop  }
0x4: {  	_ = 	snop  }
0x5: {  	_ = 	snop  }
0x6: {  	_ = 	snop  }
0x7: {  	_ = 	snop  }
__scs_overlays_trampoline_lowered:
0x8: {  	[smem:$0x3FAC] =	sst s0  }
0x9: {  	[smem:$0x3FAD] =	sst s1  }
0xa: {  	[smem:$0x3FAE] =	sst s2  }
0xb: {  	[smem:$0x3FAF] =	sst s3  }
0xc: {  	[smem:$0x3FB0] =	sst s4  }
0xd: {  	[smem:$0x3FB1] =	sst s5  }
0xe: {  	[smem:$0x3FB2] =	sst s6  }
0xf: {  	[smem:$0x3FB3] =	sst s7  }
0x10: {  	[smem:$0x3FB4] =	sst s8  }
0x11: {  	[smem:$0x3FB5] =	sst s9;
	s0 =	simm.s32 @!p0 $0x0  }
0x12: {  	s1 =	sld [smem:$0x3F9B];
	s0 =	simm.s32 @p0 $0x1  }
0x13: {  	[smem:$0x3FB6] =	sst s0;
	s0 =	simm.s32 @!p1 $0x0  }
0x14: {  	s2 =	sld [smem:$0x3F9A];
	s0 =	simm.s32 @p1 $0x1  }
0x15: {  	[smem:$0x3FB7] =	sst s0;
	s0 =	simm.s32 @!p2 $0x0  }
0x16: {  	s3 =	sld [smem:$0x3FDB];
	s0 =	simm.s32 @p2 $0x1  }
0x17: {  	s4 =	simm.s32 $0x1BF5;
	[smem:$0x3FB9] =	sst s0  }
0x18: {  	s0 =	sld [smem:$0x3F9C];
	_ =	swait.ge [sflag:s4], $0x0  }
0x19: {  	s7 =	sld [smem:$0x3F9D]  }
0x1a: {  	s8 =	sadd.s32 $0xFFFFE003, lr  }
0x1b: {  	s9 =	sadd.s32 $0xFFFFFEF7, lr;
	s5 =	simm.s32 $0xFFFFFFFF;
	p2 =	slt.u32 s8, $0xFFFFF086  }
0x1c: {  	p1 =	slt.u32 s9, $0xF7A;
	s5 =	simm.s32 @!p2 $0x0  }
0x1d: {  	s5 =	simm.s32 @p1 $0x1;
	p0 =	seq.s32 s7, s2  }
0x1e: {  	s7 =	smul.u32 @!p0 $0xF7A, s2;
	p2 =	seq.s32 @!p0 s5, $0x0  }
0x1f: {  	s9 =	smul.u32 $0xF7A, s1;
	s8 =	simm.s32 @!p0 $0x1BF5;
	p2 =	por !p2, p0  }
0x20: {  	[sflag:s8] =	ssyncset.s32 @!p0 $0xFFFFF086;
	s6 =	sadd.s32 @!p0 s3, s7;
	s7 =	simm.s32 @!p0 $0x108  }
0x21: {  	s3 =	sadd.s32 s3, s9;
	s6 =	sadd.s32 @!p0 $0x88, s6;
	s7 =	simm.s32 @p2 $0x1082  }
0x22: {  	[simem:s7], [sflag:s8] =	dma.local @!p0 [hbm:s6], $0xF7A  }
0x23: {  	s9 =	sor.u32 $0xD0000000, s2;
	s6 =	simm.s32 $0x108;
	_ =	swait.ge @!p0 [sflag:s8], $0x0  }
0x24: {  	s3 =	sadd.s32 $0x88, s3;
	s6 =	simm.s32 @!p1 $0x1082;
	[sflag:s4] =	ssyncset.s32 $0xFFFFF086  }
0x25: {  	[simem:s6], [sflag:s4] =	dma.local [hbm:s3], $0xF7A  }
0x26: {  	[smem:$0x3F9D] =	sst s1;
	(tag) =	ssettag s2;
	_ =	strace s9  }
0x27: {  	s1 =	sld [smem:$0x3FAD]  }
0x28: {  	s2 =	sld [smem:$0x3FAE]  }
0x29: {  	s4 =	sld [smem:$0x3FB0]  }
0x2a: {  	p0 =	seq.s32 s5, $0x0;
	s5 =	sld [smem:$0x3FB1]  }
0x2b: {  	s6 =	sld [smem:$0x3FB2]  }
0x2c: {  	s7 =	sld [smem:$0x3FB3]  }
0x2d: {  	s3 =	simm.s32 $0x108;
	s8 =	sld [smem:$0x3FB4]  }
0x2e: {  	s3 =	simm.s32 @!p0 $0x1082;
	s9 =	sld [smem:$0x3FB5]  }
0x2f: {  	lr =	sadd.s32 s0, s3;
	s0 =	sld [smem:$0x3FAC]  }
0x30: {  	s3 =	sld [smem:$0x3FAF]  }
0x31: {  	[smem:$0x3FB8] =	sst s10  }
0x32: {  	s10 =	sld [smem:$0x3FB6];
	_ =	sdelay $0x3  }
0x33: {  	p0 =	seq.s32 s10, $0x1;
	s10 =	sld [smem:$0x3FB8];
	_ =	sdelay $0x3  }
0x34: {  	[smem:$0x3FB8] =	sst s10  }
0x35: {  	s10 =	sld [smem:$0x3FB7];
	_ =	sdelay $0x3  }
0x36: {  	p1 =	seq.s32 s10, $0x1;
	s10 =	sld [smem:$0x3FB8];
	_ =	sdelay $0x3  }
0x37: {  	[smem:$0x3FB8] =	sst s10  }
0x38: {  	s10 =	sld [smem:$0x3FB9]  }
0x39: {  	_ = 	snop;
	(pc) =	sbr.ind lr, $3  }
0x3a: {  	_ = 	snop  }
0x3b: {  	_ = 	snop  }
0x3c: {  	p2 =	seq.s32 s10, $0x1;
	s10 =	sld [smem:$0x3FB8]  }
0x3d: {  	_ =	shalt  }
0x3e: {  	_ =	shalt  }
0x3f: {  	_ =	shalt  }
0x40: {  	_ =	shalt  }
0x41: {  	_ =	shalt  }
0x42: {  	_ =	shalt  }
0x43: {  	_ =	shalt  }
0x44: {  	_ =	shalt  }
0x45: {  	_ =	shalt  }
0x46: {  	_ =	shalt  }
0x47: {  	_ =	shalt  }
0x48: {  	_ =	shalt  }
0x49: {  	_ =	shalt  }
0x4a: {  	_ =	shalt  }
0x4b: {  	_ =	shalt  }
0x4c: {  	_ =	shalt  }
0x4d: {  	_ =	shalt  }
0x4e: {  	_ =	shalt  }
0x4f: {  	_ =	shalt  }
0x50: {  	_ =	shalt  }
0x51: {  	_ =	shalt  }
0x52: {  	_ =	shalt  }
0x53: {  	_ =	shalt  }
0x54: {  	_ =	shalt  }
0x55: {  	_ =	shalt  }
0x56: {  	_ =	shalt  }
0x57: {  	_ =	shalt  }
0x58: {  	_ =	shalt  }
0x59: {  	_ =	shalt  }
0x5a: {  	_ =	shalt  }
0x5b: {  	_ =	shalt  }
0x5c: {  	_ =	shalt  }
0x5d: {  	_ =	shalt  }
0x5e: {  	_ =	shalt  }
0x5f: {  	_ =	shalt  }
0x60: {  	_ =	shalt  }
0x61: {  	_ =	shalt  }
0x62: {  	_ =	shalt  }
0x63: {  	_ =	shalt  }
0x64: {  	_ =	shalt  }
0x65: {  	_ =	shalt  }
0x66: {  	_ =	shalt  }
0x67: {  	_ =	shalt  }
0x68: {  	_ =	shalt  }
0x69: {  	_ =	shalt  }
0x6a: {  	_ =	shalt  }
0x6b: {  	_ =	shalt  }
0x6c: {  	_ =	shalt  }
0x6d: {  	_ =	shalt  }
0x6e: {  	_ =	shalt  }
0x6f: {  	_ =	shalt  }
0x70: {  	_ =	shalt  }
0x71: {  	_ =	shalt  }
0x72: {  	_ =	shalt  }
0x73: {  	_ =	shalt  }
0x74: {  	_ =	shalt  }
0x75: {  	_ =	shalt  }
0x76: {  	_ =	shalt  }
0x77: {  	_ =	shalt  }
0x78: {  	_ =	shalt  }
0x79: {  	_ =	shalt  }
0x7a: {  	_ =	shalt  }
0x7b: {  	_ =	shalt  }
0x7c: {  	_ =	shalt  }
0x7d: {  	_ =	shalt  }
0x7e: {  	_ =	shalt  }
0x7f: {  	_ =	shalt  }
0x80: {  	_ =	shalt  }
0x81: {  	_ =	shalt  }
0x82: {  	_ =	shalt  }
0x83: {  	_ =	shalt  }
0x84: {  	_ =	shalt  }
0x85: {  	_ =	shalt  }
0x86: {  	_ =	shalt  }
0x87: {  	_ =	shalt  }
.Lfunc_end0:
.L_simem_size_0:
called_computation_lowered:
.L_overlay_start_0:
0x88: {  	s2 =	sld [smem:$0x3FD9]  }
0x89: {  	s3 =	sld [smem:$0x3FFE];
	_ =	sdelay $0x1  }
0x8a: {  	s1 =	srdreg.scid  }
0x8b: {  	s0 =	sand.u32 $0x1, s1  }
0x8c: {  	s15 =	sshll.u32 s0, $0xA;
	s2 =	sadd.s32 s3, s2  }
0x8d: {  	s2 =	sadd.s32 s2, s15  }
0x8e: {  	[smem:$0x3FC4] =	sst s2  }
0x8f: {  	_ = 	snop  }
0x90: {  	s2 =	sld [smem:$0x3FC9]  }
0x91: {  	s16 =	sld [smem:$0x3FD0]  }
0x92: {  	s4 =	sld [smem:$0x3FC8]  }
0x93: {  	s5 =	sld [smem:$0x3FC7]  }
0x94: {  	s7 =	simm.s32 $0xA;
	s8 =	simm.s32 $0x10;
	s6 =	sld [smem:$0x3FC6]  }
0x95: {  	[smem:s8], [sflag:s7] =	dma.local [hbm:s16], $0x1  }
0x96: {  	_ =	swait.eq [sflag:s7], $0x1  }
0x97: {  	[sflag:s7] =	ssyncset.done $0x0  }
0x98: {  	s17 =	sld [smem:$0x10];
	[sflag:s7] =	ssyncadd.s32 $0xFFFFFFFF  }
0x99: {  	s18 =	sld [smem:$0x11];
	(tm) =	ssettm $0x1  }
0x9a: {  	s19 =	sld [smem:$0x3FFB];
	_ =	sdelay $0x3  }
0x9b: {  	_ =	strace s19  }
0x9c: {  	s8 =	sld [smem:$0x3FFC];
	_ =	sdelay $0x3  }
0x9d: {  	_ =	strace s8  }
0x9e: {  	s8 =	sld [smem:$0x3FFD];
	_ =	sdelay $0x3  }
0x9f: {  	_ =	strace s8  }
0xa0: {  	_ =	strace $0x8FFFFFFF  }
0xa1: {  	s20 =	sld [smem:$0x3FDB];
	_ =	sdelay $0x1  }
0xa2: {  	s9 =	simm.s32 $_scs_section_size  }
0xa3: {  	s10 =	simm.s32 $_size__tile_overlayer_lowered;
	s11 =	simm.s32 $_tile_overlayer_lowered  }
0xa4: {  	s23 =	simm.s32 $0x1BFF;
	s22 =	sshll.u32 s11, $0x1;
	s8 =	sadd.s32 s9, s20  }
0xa5: {  	s12 =	simm.s32 $0x0;
	s21 =	sshll.u32 s10, $0x1;
	s10 =	sadd.s32 s22, s8  }
0xa6: {  	[timem:s12], [sflag:s23] =	dma.local [hbm:s10], s21  }
0xa7: {  	_ =	swait.ge [sflag:s23], s21  }
0xa8: {  	s9 =	ssub.s32 $0x0, s21;
	[sflag:s23] =	ssyncset.done $0x0  }
0xa9: {  	[sflag:s23] =	ssyncadd.s32 s9;
	_ =	sdelay $0x1  }
0xaa: {  	s24 =	simm.s32 $0x1B8B  }
0xab: {  	_ =	swait.ge [sflag:s24], $0x1  }
0xac: {  	[sflag:s24] =	ssyncset.done $0x0  }
0xad: {  	s25 =	simm.s32 $0x1B8E;
	[sflag:s24] =	ssyncadd.s32 $0xFFFFFFFF  }
0xae: {  	s26 =	simm.s32 $execute0_lowered;
	[smem:$0x3FD2] =	sst s25  }
0xaf: {  	s9 =	sshll.u32 s26, $0x1;
	_ =	strace $0x80000046;
	[dreg:$0x1] =	wrdreg $0xFFFFFFFF  }
0xb0: {  	s28 =	simm.s32 $_size_execute0_lowered;
	s8 =	sadd.s32 s8, s9;
	[dreg:$0x0] =	wrdreg $0x0  }
0xb1: {  	s9 =	sshll.u32 s28, $0x1;
	[dreg:$0x2] =	wrdreg s8  }
0xb2: {  	[dreg:$0x3] =	wrdreg s9  }
0xb3: {  	[dreg:$0x4] =	wrdreg $0xC0  }
0xb4: {  	_ =	task [dreg:s12], $0x5FFFF  }
0xb5: {  	[dreg:$0x1] =	wrdreg $0xFFFFFFFF  }
0xb6: {  	[dreg:$0x0] =	wrdreg $0x60  }
0xb7: {  	[dreg:$0x2] =	wrdreg s2  }
0xb8: {  	[dreg:$0x3] =	wrdreg s4  }
0xb9: {  	[dreg:$0x4] =	wrdreg s5  }
0xba: {  	[dreg:$0x5] =	wrdreg s6  }
0xbb: {  	[dreg:$0x6] =	wrdreg s17  }
0xbc: {  	[dreg:$0x7] =	wrdreg s18  }
0xbd: {  	[dreg:$0x8] =	wrdreg $0x9  }
0xbe: {  	_ =	task.clear_ibuf [dreg:s12], $0x9FFFF;
	_ =	strace $0x90000046  }
0xbf: {  	s29 =	simm.s32 $0x9;
	_ =	strace $0x80000048  }
0xc0: {  	_ =	swait.ge [sflag:s29], $0x1  }
0xc1: {  	[sflag:s29] =	ssyncadd.s32 $0xFFFFFFFF  }
0xc2: {  	_ =	strace $0x90000048  }
0xc3: {  	_ =	sfence  }
0xc4: {  	s30 =	sld [smem:$0x0];
	_ =	sdelay $0x2  }
0xc5: {  	s31 =	sshll.u32 s1, $0xD;
	s1 =	sshrl.u32 s1, $0x2  }
0xc6: {  	s3 =	sand.u32 $0x4000, s31;
	s1 =	sadd.s32 s1, s30  }
0xc7: {  	s0 =	sor.u32 s3, s0;
	s1 =	sshll.u32 s1, $0x11  }
0xc8: {  	s0 =	sor.u32 s1, s0  }
0xc9: {  	s0 =	sadd.s32 $0x8F2B, s0  }
0xca: {  	[sflag:s0] =	ssyncadd.remote.s32 $0x1  }
0xcb: {  	_ =	sfence.sel $0xFFFF  }
0xcc: {  	[dreg:$0x0] =	wrdreg $0xFFFFFFFF;
	(pc) =	sbr.abs _section_cstart, $3  }
0xcd: {  	[dreg:$0x1] =	wrdreg $0xFFFFFFFF  }
0xce: {  	_ =	task.clear_ibuf [dreg:s12], $0x2FFFF;
	_ =	strace $0x9FFFFFFF  }
0xcf: {  	(tm) =	ssettm $0x7FFFFFFF  }
tec
execute0_lowered:
.L_overlay_start_1:
0x0: {  	(tag) =	ssettag $0x1  }
0x1: {  	s0 =	rddreg [dreg:$0x0]  }
0x2: {  	s5 =	rddreg [dreg:$0x1]  }
0x3: {  	s2 =	rddreg [dreg:$0x2]  }
0x4: {  	s7 =	rddreg [dreg:$0x3];
	s3 =	srdreg.scid  }
0x5: {  	s28 =	rddreg [dreg:$0x4];
	s1 =	stileid.u32;
	s30 =	sand.u32 $0x1, s3  }
0x6: {  	s29 =	rddreg [dreg:$0x5];
	s6 =	sshll.u32 s1, $0xA;
	s8 =	sshll.u32 s30, $0x9  }
0x7: {  	s4 =	simm.s32 $0x0;
	s3 =	rddreg [dreg:$0x6];
	s13 =	sor.u32 s8, s6  }
0x8: {  	[smem:$0x7FF] =	sst s4;
	s8 =	sshrl.u32 s13, $0x3  }
0x9: {  	_ =	strace $0x80000047;
	s6 =	simm.s32 $0x3;
	s5 =	sadd.s32 s5, s8  }
0xa: {  	[tilespmem:s4], [sflag:$0x3] =	stream.linear.gather [hbm4b:s5+s4], $0x200, $0x38;
	[tilespmem:$0x10400] =	vst v63  }
0xb: {  	_ =	swait.ge [sflag:s6], $0x200  }
0xc: {  	[sflag:s6] =	ssyncset.done $0x0  }
0xd: {  	s7 =	sadd.s32 s7, s8;
	s8 =	simm.s32 $0x200;
	[sflag:s6] =	ssyncadd.s32 $0xFFFFFE00  }
0xe: {  	[tilespmem:s8], [sflag:$0x3] =	stream.linear.gather [hbm4b:s7+s4], $0x200, $0x38;
	[tilespmem:$0x10400] =	vst v63  }
0xf: {  	_ =	swait.ge [sflag:s6], $0x200  }
0x10: {  	[sflag:s6] =	ssyncset.done $0x0  }
0x11: {  	s9 =	simm.s32 $0x80;
	s10 =	simm.s32 $0x400;
	[sflag:s6] =	ssyncadd.s32 $0xFFFFFE00  }
0x12: {  	[tilespmem:s10], [sflag:$0x1] =	stream.indirect.gather [hbm4b:s0+s9], $0x80, s4, s9, $0xb8;
	[tilespmem:$0x10400] =	vst v63  }
0x13: {  	s11 =	simm.s32 $0x8400;
	s12 =	simm.s32 $0x1  }
0x14: {  	[tilespmem:s11], [sflag:$0x1] =	stream.indirect.gather [hbm4b:s2+s9], $0x80, s8, s9, $0xb8;
	[tilespmem:$0x10400] =	vst v63  }
0x15: {  	_ =	swait.ge [sflag:s12], $0x4000  }
0x16: {  	[sflag:s12] =	ssyncset.done $0x0  }
0x17: {  	[sflag:s12] =	ssyncadd.s32 $0xFFFFC000  }
0x18: {  	_ =	swait.ge [sflag:s12], $0x4000  }
0x19: {  	s31 =	sshll.u32 s13, $0x4;
	[sflag:s12] =	ssyncset.done $0x0  }
0x1a: {  	s13 =	sadd.s32 s28, s31;
	[sflag:s12] =	ssyncadd.s32 $0xFFFFC000  }
0x1b: {  	[hbm4b:s13+s4] =	stream.linear.scatter [tilespmem:s10], [sflag:$0x2], $0x4000, $0x38;
	[tilespmem:$0x10400] =	vst v63  }
0x1c: {  	s14 =	sadd.s32 s29, s31  }
0x1d: {  	[hbm4b:s14+s4] =	stream.linear.scatter [tilespmem:s11], [sflag:$0x2], $0x4000, $0x38;
	[tilespmem:$0x10400] =	vst v63  }
0x1e: {  	s15 =	simm.s32 $0x4400  }
0x1f: {  	[tilespmem:s15], [sflag:$0x1] =	stream.indirect.gather [hbm4b:s0+s9], $0x80, s9, s9, $0xb8;
	[tilespmem:$0x10400] =	vst v63  }
0x20: {  	s16 =	simm.s32 $0x280;
	s17 =	simm.s32 $0xC400  }
0x21: {  	[tilespmem:s17], [sflag:$0x1] =	stream.indirect.gather [hbm4b:s2+s9], $0x80, s16, s9, $0xb8;
	[tilespmem:$0x10400] =	vst v63  }
0x22: {  	_ =	swait.ge [sflag:s12], $0x4000  }
0x23: {  	[sflag:s12] =	ssyncset.done $0x0  }
0x24: {  	[sflag:s12] =	ssyncadd.s32 $0xFFFFC000  }
0x25: {  	_ =	swait.ge [sflag:s12], $0x4000  }
0x26: {  	s19 =	sor.u32 $0x800, s31;
	[sflag:s12] =	ssyncset.done $0x0  }
0x27: {  	s18 =	sadd.s32 s28, s19;
	[sflag:s12] =	ssyncadd.s32 $0xFFFFC000  }
0x28: {  	[hbm4b:s18+s4] =	stream.linear.scatter [tilespmem:s15], [sflag:$0x2], $0x4000, $0x38;
	[tilespmem:$0x10400] =	vst v63  }
0x29: {  	s20 =	sadd.s32 s29, s19;
	s19 =	simm.s32 $0x2  }
0x2a: {  	[hbm4b:s20+s4] =	stream.linear.scatter [tilespmem:s17], [sflag:$0x2], $0x4000, $0x38;
	[tilespmem:$0x10400] =	vst v63  }
0x2b: {  	_ =	swait.ge [sflag:s19], $0x4000  }
0x2c: {  	[sflag:s19] =	ssyncset.done $0x0  }
0x2d: {  	[sflag:s19] =	ssyncadd.s32 $0xFFFFC000  }
0x2e: {  	_ =	swait.ge [sflag:s19], $0x4000  }
0x2f: {  	[sflag:s19] =	ssyncset.done $0x0  }
0x30: {  	s21 =	simm.s32 $0x100;
	[sflag:s19] =	ssyncadd.s32 $0xFFFFC000  }
0x31: {  	[tilespmem:s10], [sflag:$0x1] =	stream.indirect.gather [hbm4b:s0+s9], $0x80, s21, s9, $0xb8;
	[tilespmem:$0x10400] =	vst v63  }
0x32: {  	s22 =	simm.s32 $0x300  }
0x33: {  	[tilespmem:s11], [sflag:$0x1] =	stream.indirect.gather [hbm4b:s2+s9], $0x80, s22, s9, $0xb8;
	[tilespmem:$0x10400] =	vst v63  }
0x34: {  	_ =	swait.ge [sflag:s12], $0x4000  }
0x35: {  	[sflag:s12] =	ssyncset.done $0x0  }
0x36: {  	[sflag:s12] =	ssyncadd.s32 $0xFFFFC000  }
0x37: {  	_ =	swait.ge [sflag:s12], $0x4000  }
0x38: {  	s24 =	sor.u32 $0x1000, s31;
	[sflag:s12] =	ssyncset.done $0x0  }
0x39: {  	s23 =	sadd.s32 s28, s24;
	[sflag:s12] =	ssyncadd.s32 $0xFFFFC000  }
0x3a: {  	[hbm4b:s23+s4] =	stream.linear.scatter [tilespmem:s10], [sflag:$0x2], $0x4000, $0x38;
	[tilespmem:$0x10400] =	vst v63  }
0x3b: {  	s24 =	sadd.s32 s29, s24  }
0x3c: {  	[hbm4b:s24+s4] =	stream.linear.scatter [tilespmem:s11], [sflag:$0x2], $0x4000, $0x38;
	[tilespmem:$0x10400] =	vst v63  }
0x3d: {  	_ =	swait.ge [sflag:s19], $0x4000  }
0x3e: {  	[sflag:s19] =	ssyncset.done $0x0  }
0x3f: {  	[sflag:s19] =	ssyncadd.s32 $0xFFFFC000  }
0x40: {  	_ =	swait.ge [sflag:s19], $0x4000  }
0x41: {  	[sflag:s19] =	ssyncset.done $0x0  }
0x42: {  	s25 =	simm.s32 $0x180;
	[sflag:s19] =	ssyncadd.s32 $0xFFFFC000  }
0x43: {  	[tilespmem:s15], [sflag:$0x1] =	stream.indirect.gather [hbm4b:s0+s9], $0x80, s25, s9, $0xb8;
	[tilespmem:$0x10400] =	vst v63  }
0x44: {  	s26 =	simm.s32 $0x380  }
0x45: {  	[tilespmem:s17], [sflag:$0x1] =	stream.indirect.gather [hbm4b:s2+s9], $0x80, s26, s9, $0xb8;
	[tilespmem:$0x10400] =	vst v63  }
0x46: {  	_ =	swait.ge [sflag:s12], $0x4000  }
0x47: {  	[sflag:s12] =	ssyncset.done $0x0  }
0x48: {  	[sflag:s12] =	ssyncadd.s32 $0xFFFFC000  }
0x49: {  	_ =	swait.ge [sflag:s12], $0x4000  }
0x4a: {  	s31 =	sor.u32 $0x1800, s31;
	[sflag:s12] =	ssyncset.done $0x0  }
0x4b: {  	s28 =	sadd.s32 s28, s31;
	[sflag:s12] =	ssyncadd.s32 $0xFFFFC000  }
0x4c: {  	[hbm4b:s28+s4] =	stream.linear.scatter [tilespmem:s15], [sflag:$0x2], $0x4000, $0x38;
	[tilespmem:$0x10400] =	vst v63  }
0x4d: {  	s29 =	sadd.s32 s29, s31  }
0x4e: {  	[hbm4b:s29+s4] =	stream.linear.scatter [tilespmem:s17], [sflag:$0x2], $0x4000, $0x38;
	[tilespmem:$0x10400] =	vst v63  }
0x4f: {  	_ =	swait.ge [sflag:s19], $0x4000  }
0x50: {  	s30 =	ssub.s32 $0x2, s30;
	[sflag:s19] =	ssyncset.done $0x0  }
0x51: {  	s31 =	sshrl.u32 s30, $0x1;
	[sflag:s19] =	ssyncadd.s32 $0xFFFFC000  }
0x52: {  	s30 =	ssub.s32 s30, s31;
	_ =	swait.ge [sflag:s19], $0x4000  }
0x53: {  	s30 =	smax.u32 s30, $0x1;
	[sflag:s19] =	ssyncset.done $0x0  }
0x54: {  	p0 =	sne.s32 s30, $0x1;
	[sflag:s19] =	ssyncadd.s32 $0xFFFFC000  }
.Ltmp0:
0x55: {  	_ =	swait.ge [sflag:s19], $0x4000;
	(pc) =	sbr.rel @!p0 .LBB2_2-.Ltmp0, $4  }
0x56: {  	[sflag:s19] =	ssyncset.done $0x0  }
0x57: {  	[sflag:s19] =	ssyncadd.s32 $0xFFFFC000  }
0x58: {  	_ =	swait.ge [sflag:s19], $0x4000  }
0x59: {  	s30 =	sadd.s32 $0xFFFFFFFF, s30;
	[sflag:s19] =	ssyncset.done $0x0  }
.LBB2_1:
0x5a: {  	p0 =	sne.s32 s30, $0x1;
	s30 =	sadd.s32 $0xFFFFFFFF, s30;
	[sflag:s19] =	ssyncadd.s32 $0xFFFFC000  }
0x5b: {  	[tilespmem:s4], [sflag:$0x3] =	stream.linear.gather [hbm4b:s5+s4], $0x200, $0x38;
	[tilespmem:$0x10400] =	vst v63  }
0x5c: {  	_ =	swait.ge [sflag:s6], $0x200  }
0x5d: {  	[sflag:s6] =	ssyncset.done $0x0  }
0x5e: {  	[sflag:s6] =	ssyncadd.s32 $0xFFFFFE00  }
0x5f: {  	[tilespmem:s8], [sflag:$0x3] =	stream.linear.gather [hbm4b:s7+s4], $0x200, $0x38;
	[tilespmem:$0x10400] =	vst v63  }
0x60: {  	_ =	swait.ge [sflag:s6], $0x200  }
0x61: {  	[sflag:s6] =	ssyncset.done $0x0  }
0x62: {  	[sflag:s6] =	ssyncadd.s32 $0xFFFFFE00  }
0x63: {  	[tilespmem:s10], [sflag:$0x1] =	stream.indirect.gather [hbm4b:s0+s9], $0x80, s4, s9, $0xb8;
	[tilespmem:$0x10400] =	vst v63  }
0x64: {  	_ = 	snop  }
0x65: {  	[tilespmem:s11], [sflag:$0x1] =	stream.indirect.gather [hbm4b:s2+s9], $0x80, s8, s9, $0xb8;
	[tilespmem:$0x10400] =	vst v63  }
0x66: {  	_ =	swait.ge [sflag:s12], $0x4000  }
0x67: {  	[sflag:s12] =	ssyncset.done $0x0  }
0x68: {  	[sflag:s12] =	ssyncadd.s32 $0xFFFFC000  }
0x69: {  	_ =	swait.ge [sflag:s12], $0x4000  }
0x6a: {  	[sflag:s12] =	ssyncset.done $0x0  }
0x6b: {  	[sflag:s12] =	ssyncadd.s32 $0xFFFFC000  }
0x6c: {  	[hbm4b:s13+s4] =	stream.linear.scatter [tilespmem:s10], [sflag:$0x2], $0x4000, $0x38;
	[tilespmem:$0x10400] =	vst v63  }
0x6d: {  	_ = 	snop  }
0x6e: {  	[hbm4b:s14+s4] =	stream.linear.scatter [tilespmem:s11], [sflag:$0x2], $0x4000, $0x38;
	[tilespmem:$0x10400] =	vst v63  }
0x6f: {  	_ = 	snop  }
0x70: {  	[tilespmem:s15], [sflag:$0x1] =	stream.indirect.gather [hbm4b:s0+s9], $0x80, s9, s9, $0xb8;
	[tilespmem:$0x10400] =	vst v63  }
0x71: {  	_ = 	snop  }
0x72: {  	[tilespmem:s17], [sflag:$0x1] =	stream.indirect.gather [hbm4b:s2+s9], $0x80, s16, s9, $0xb8;
	[tilespmem:$0x10400] =	vst v63  }
0x73: {  	_ =	swait.ge [sflag:s12], $0x4000  }
0x74: {  	[sflag:s12] =	ssyncset.done $0x0  }
0x75: {  	[sflag:s12] =	ssyncadd.s32 $0xFFFFC000  }
0x76: {  	_ =	swait.ge [sflag:s12], $0x4000  }
0x77: {  	[sflag:s12] =	ssyncset.done $0x0  }
0x78: {  	[sflag:s12] =	ssyncadd.s32 $0xFFFFC000  }
0x79: {  	[hbm4b:s18+s4] =	stream.linear.scatter [tilespmem:s15], [sflag:$0x2], $0x4000, $0x38;
	[tilespmem:$0x10400] =	vst v63  }
0x7a: {  	_ = 	snop  }
0x7b: {  	[hbm4b:s20+s4] =	stream.linear.scatter [tilespmem:s17], [sflag:$0x2], $0x4000, $0x38;
	[tilespmem:$0x10400] =	vst v63  }
0x7c: {  	_ =	swait.ge [sflag:s19], $0x4000  }
0x7d: {  	[sflag:s19] =	ssyncset.done $0x0  }
0x7e: {  	[sflag:s19] =	ssyncadd.s32 $0xFFFFC000  }
0x7f: {  	_ =	swait.ge [sflag:s19], $0x4000  }
0x80: {  	[sflag:s19] =	ssyncset.done $0x0  }
0x81: {  	[sflag:s19] =	ssyncadd.s32 $0xFFFFC000  }
0x82: {  	[tilespmem:s10], [sflag:$0x1] =	stream.indirect.gather [hbm4b:s0+s9], $0x80, s21, s9, $0xb8;
	[tilespmem:$0x10400] =	vst v63  }
0x83: {  	_ = 	snop  }
0x84: {  	[tilespmem:s11], [sflag:$0x1] =	stream.indirect.gather [hbm4b:s2+s9], $0x80, s22, s9, $0xb8;
	[tilespmem:$0x10400] =	vst v63  }
0x85: {  	_ =	swait.ge [sflag:s12], $0x4000  }
0x86: {  	[sflag:s12] =	ssyncset.done $0x0  }
0x87: {  	[sflag:s12] =	ssyncadd.s32 $0xFFFFC000  }
0x88: {  	_ =	swait.ge [sflag:s12], $0x4000  }
0x89: {  	[sflag:s12] =	ssyncset.done $0x0  }
0x8a: {  	[sflag:s12] =	ssyncadd.s32 $0xFFFFC000  }
0x8b: {  	[hbm4b:s23+s4] =	stream.linear.scatter [tilespmem:s10], [sflag:$0x2], $0x4000, $0x38;
	[tilespmem:$0x10400] =	vst v63  }
0x8c: {  	_ = 	snop  }
0x8d: {  	[hbm4b:s24+s4] =	stream.linear.scatter [tilespmem:s11], [sflag:$0x2], $0x4000, $0x38;
	[tilespmem:$0x10400] =	vst v63  }
0x8e: {  	_ =	swait.ge [sflag:s19], $0x4000  }
0x8f: {  	[sflag:s19] =	ssyncset.done $0x0  }
0x90: {  	[sflag:s19] =	ssyncadd.s32 $0xFFFFC000  }
0x91: {  	_ =	swait.ge [sflag:s19], $0x4000  }
0x92: {  	[sflag:s19] =	ssyncset.done $0x0  }
0x93: {  	[sflag:s19] =	ssyncadd.s32 $0xFFFFC000  }
0x94: {  	[tilespmem:s15], [sflag:$0x1] =	stream.indirect.gather [hbm4b:s0+s9], $0x80, s25, s9, $0xb8;
	[tilespmem:$0x10400] =	vst v63  }
0x95: {  	_ = 	snop  }
0x96: {  	[tilespmem:s17], [sflag:$0x1] =	stream.indirect.gather [hbm4b:s2+s9], $0x80, s26, s9, $0xb8;
	[tilespmem:$0x10400] =	vst v63  }
0x97: {  	_ =	swait.ge [sflag:s12], $0x4000  }
0x98: {  	[sflag:s12] =	ssyncset.done $0x0  }
0x99: {  	[sflag:s12] =	ssyncadd.s32 $0xFFFFC000  }
0x9a: {  	_ =	swait.ge [sflag:s12], $0x4000  }
0x9b: {  	[sflag:s12] =	ssyncset.done $0x0  }
0x9c: {  	[sflag:s12] =	ssyncadd.s32 $0xFFFFC000  }
0x9d: {  	[hbm4b:s28+s4] =	stream.linear.scatter [tilespmem:s15], [sflag:$0x2], $0x4000, $0x38;
	[tilespmem:$0x10400] =	vst v63  }
0x9e: {  	_ = 	snop  }
0x9f: {  	[hbm4b:s29+s4] =	stream.linear.scatter [tilespmem:s17], [sflag:$0x2], $0x4000, $0x38;
	[tilespmem:$0x10400] =	vst v63  }
0xa0: {  	_ =	swait.ge [sflag:s19], $0x4000  }
0xa1: {  	[sflag:s19] =	ssyncset.done $0x0  }
0xa2: {  	[sflag:s19] =	ssyncadd.s32 $0xFFFFC000  }
0xa3: {  	_ =	swait.ge [sflag:s19], $0x4000  }
0xa4: {  	[sflag:s19] =	ssyncset.done $0x0  }
0xa5: {  	[sflag:s19] =	ssyncadd.s32 $0xFFFFC000  }
.Ltmp1:
0xa6: {  	_ =	swait.ge [sflag:s19], $0x4000;
	(pc) =	sbr.rel @p0 .LBB2_1-.Ltmp1, $4  }
0xa7: {  	[sflag:s19] =	ssyncset.done $0x0  }
0xa8: {  	[sflag:s19] =	ssyncadd.s32 $0xFFFFC000  }
0xa9: {  	_ =	swait.ge [sflag:s19], $0x4000  }
0xaa: {  	[sflag:s19] =	ssyncset.done $0x0  }
.LBB2_2:
0xab: {  	[sflag:s19] =	ssyncadd.s32 $0xFFFFC000  }
0xac: {  	_ =	sfence.sel $0x180000  }
0xad: {  	[bflag:$0x0] =	sbarrier.arrive $0xFFFF  }
0xae: {  	p0 =	sne.s32 s1, $0x0;
	_ =	strace $0x90000047  }
0xaf: {  	s0 =	sadd.s32 @!p0 $0x100000, s3;
	[bflag:$0x2] =	sbarrier.arrive $0xFFFF  }
0xb0: {  	[sflag:s0] =	ssyncadd.tile.s32 @!p0 $0x1;
	_ =	shalt  }
.Lfunc_end2:
_tile_overlayer_lowered:
.L_overlay_start_2:
0xb1: {  	(tag) =	ssettag $0x2  }
0xb2: {  	s0 =	rddreg [dreg:$0x0];
	s2 =	stileid.u32  }
0xb3: {  	s1 =	rddreg [dreg:$0x1];
	p0 =	sne.s32 s2, $0x0  }
0xb4: {  	s3 =	rddreg [dreg:$0x2];
	[bflag:$0x3] =	sbarrier.arrive $0xFFFF;
	s2 =	simm.s32 @!p0 $0x1C03  }
0xb5: {  	[timem:s3], [sflag:s2] =	dma.local @!p0 [hbm:s0], s1  }
0xb6: {  	s0 =	simm.s32 @!p0 $0x3  }
0xb7: {  	_ =	swait.ge @!p0 [sflag:s0], s1  }
0xb8: {  	s1 =	ssub.s32 @!p0 $0x0, s1;
	[sflag:s0] =	ssyncset.done @!p0 $0x0  }
0xb9: {  	[sflag:s0] =	ssyncadd.s32 @!p0 s1  }
0xba: {  	[bflag:$0x3] =	sbarrier.arrive $0xFFFF  }
0xbb: {  	_ =	shalt  }

</sc_bundles>
